<compile_context>
chip_gen: v7x
topology: tpu7x:2x2x1
jax: 0.10.2.dev20260603
libtpu: 0.0.44.dev20260713+nightly
codegen_flags: <defaults>
</compile_context>

<pallas_src>
import functools

import jax
import jax.numpy as jnp
from jax import lax
from jax.experimental import pallas as pl
from jax.experimental.pallas import tpu as pltpu
from jax.experimental.pallas import tpu_sc as plsc

TN = 1024
TK = 2048


def _dist_argmin_kernel(nj, ni, n, lat, x_ref, cb_ref, idx_ref, loss_ref,
                        hc2_ref):
    i = pl.program_id(0)
    xb = x_ref[0]

    @pl.when(i == 0)
    def _():
        for jc in range(nj):
            cbt = cb_ref[jc * TK:(jc + 1) * TK, :]
            hc2_ref[jc * TK:(jc + 1) * TK, :] = 0.5 * jnp.sum(
                cbt * cbt, axis=1, keepdims=True)

    m = jnp.full((TN,), jnp.inf, jnp.float32)
    a = jnp.zeros((TN,), jnp.int32)
    for jc in range(nj):
        cbt = cb_ref[jc * TK:(jc + 1) * TK, :]
        cross = lax.dot_general(cbt, xb, (((1,), (0,)), ((), ())),
                                preferred_element_type=jnp.float32)
        scores = hc2_ref[jc * TK:(jc + 1) * TK, :] - cross
        ml = jnp.min(scores, axis=0)
        al = jnp.argmin(scores, axis=0).astype(jnp.int32) + jc * TK
        better = ml < m
        m = jnp.where(better, ml, m)
        a = jnp.where(better, al, a)

    idx_ref[0, 0, :] = a
    x2 = jnp.sum(xb * xb, axis=0)
    part = jnp.sum(x2 + 2.0 * m)
    prev = jnp.where(i == 0, 0.0, loss_ref[0, 0])
    loss_ref[0, 0] = prev + part


def _dist_argmin(x3, cb):
    b, lat, hw = x3.shape
    k = cb.shape[0]
    n = b * hw
    ni, nj = n // TN, k // TK
    tiles_per_b = hw // TN
    return pl.pallas_call(
        functools.partial(_dist_argmin_kernel, nj, ni, n, lat),
        grid=(ni,),
        in_specs=[
            pl.BlockSpec((1, lat, TN),
                         lambda i: (i // tiles_per_b, 0, i % tiles_per_b)),
            pl.BlockSpec((k, lat), lambda i: (0, 0)),
        ],
        out_specs=[
            pl.BlockSpec((1, 1, TN), lambda i: (i, 0, 0)),
            pl.BlockSpec(memory_space=pltpu.SMEM),
        ],
        out_shape=[
            jax.ShapeDtypeStruct((ni, 1, TN), jnp.int32),
            jax.ShapeDtypeStruct((1, 1), jnp.float32),
        ],
        scratch_shapes=[
            pltpu.VMEM((k, 1), jnp.float32),
        ],
        compiler_params=pltpu.CompilerParams(
            dimension_semantics=("arbitrary",)),
    )(x3, cb)


def _gather_sc(cb, idx3):
    nw, nchunk, cw = idx3.shape
    n = nw * nchunk * cw
    bpw = n // nw
    lat = cb.shape[1]
    mesh = plsc.VectorSubcoreMesh(core_axis_name="c", subcore_axis_name="s")

    @functools.partial(
        pl.kernel, mesh=mesh,
        out_type=jax.ShapeDtypeStruct((n, lat), jnp.float32),
        scratch_types=[
            pltpu.VMEM((nchunk, cw), jnp.int32),
            pltpu.VMEM((bpw, lat), jnp.float32),
        ] + [pltpu.SemaphoreType.DMA] * (nchunk + 1),
    )
    def k(cb_hbm, idx_hbm, out_hbm, idx_v, rows_v, *sems):
        wid = lax.axis_index("s") * 2 + lax.axis_index("c")
        pltpu.sync_copy(idx_hbm.at[wid], idx_v)
        gathers = [pltpu.async_copy(cb_hbm.at[idx_v.at[c]],
                                    rows_v.at[pl.ds(c * cw, cw)], sems[c])
                   for c in range(nchunk)]
        outs = []
        for c in range(nchunk):
            gathers[c].wait()
            outs.append(pltpu.async_copy(
                rows_v.at[pl.ds(c * cw, cw)],
                out_hbm.at[pl.ds(wid * bpw + c * cw, cw)], sems[nchunk]))
        for o in outs:
            o.wait()

    return k(cb, idx3)


def kernel(x, codebook):
    b, lat, h, w = x.shape
    n = b * h * w
    x3 = x.reshape(b, lat, h * w)
    idx_blk, loss2 = _dist_argmin(x3, codebook)
    idx_flat = idx_blk.reshape(n)
    q = _gather_sc(codebook, idx_flat.reshape(32, n // 32 // 64, 64))
    out_q = q.reshape(b, h, w, lat).transpose(0, 3, 1, 2)
    loss = loss2[0, 0] / jnp.float32(n * lat)
    return (out_q, idx_flat.reshape(b, h, w), loss, loss)

# --- scband reference (transcript-rebuilt; emitter-appended) ---
"""Pipeline reference for scband-quantizer-58360015618417 (READ-ONLY COPY).

The authoritative reference and input builder live on the scoring server;
editing this copy changes nothing except your own understanding.
"""

import jax, jax.numpy as jnp
import numpy as np


def setup_inputs(seed: int = 0) -> dict:
    key = jax.random.key(seed)
    k1, k2 = jax.random.split(key)
    x = jax.random.normal(k1, (8, 256, 32, 32), dtype=jnp.float32)
    # nn.Embedding default init: N(0, 1)
    codebook = jax.random.normal(k2, (8192, 256), dtype=jnp.float32)
    return {"x": x, "codebook": codebook}


def reference(x, codebook):
    B, lat, H, W = x.shape
    xp = jnp.transpose(x, (0, 2, 3, 1))
    xp = xp.reshape((B, -1, lat))  # [B, HW, lat]
    # torch.cdist (p=2, euclidean) against codebook repeated per batch
    x2 = jnp.sum(xp * xp, axis=-1, keepdims=True)            # [B, HW, 1]
    c2 = jnp.sum(codebook * codebook, axis=-1)[None, None, :]  # [1, 1, K]
    cross = jnp.einsum('bnd,kd->bnk', xp, codebook)          # [B, HW, K]
    dist2 = jnp.clip(x2 + c2 - 2.0 * cross, 0.0, None)
    dist = jnp.sqrt(dist2)
    min_enc_idx = jnp.argmin(dist, axis=-1)                   # [B, HW]
    min_enc_idx_flat = min_enc_idx.reshape(-1)
    out_quant = jnp.take(codebook, min_enc_idx_flat, axis=0)  # [B*HW, lat]
    x_comp = xp.reshape((-1, lat))
    codebook_loss = jnp.mean((jax.lax.stop_gradient(x_comp) - out_quant) ** 2)
    commitment_loss = jnp.mean((x_comp - jax.lax.stop_gradient(out_quant)) ** 2)
    out_q = jax.lax.stop_gradient(out_quant - x_comp) + x_comp  # straight-through
    out_q = out_q.reshape((B, H, W, lat))
    out_q = jnp.transpose(out_q, (0, 3, 1, 2))
    min_enc_idx = min_enc_idx.reshape((B, H, W))
    return (out_q, min_enc_idx, codebook_loss, commitment_loss)

if __name__ == "__main__":
    import jax
    _d = setup_inputs()
    print(jax.jit(kernel)(*tuple(_d.values())))

</pallas_src>

<mosaic_0001>
#map = affine_map<(d0, d1) -> (0, 0)>
#map1 = affine_map<(d0, d1) -> (0, 0, 0)>
module attributes {stable_mosaic.version = 14 : i64} {
  func.func @k(%arg0: i32, %arg1: i32, %arg2: memref<8192x256xf32, #tpu.memory_space<hbm>>, %arg3: memref<32x4x64xi32, #tpu.memory_space<hbm>>, %arg4: memref<8192x256xf32, #tpu.memory_space<hbm>>, %arg5: memref<4x64xi32, #tpu.memory_space<vmem>>, %arg6: memref<256x256xf32, #tpu.memory_space<vmem>>, %arg7: memref<!tpu.dma_semaphore, #tpu.memory_space<semaphore_mem>>, %arg8: memref<!tpu.dma_semaphore, #tpu.memory_space<semaphore_mem>>, %arg9: memref<!tpu.dma_semaphore, #tpu.memory_space<semaphore_mem>>, %arg10: memref<!tpu.dma_semaphore, #tpu.memory_space<semaphore_mem>>, %arg11: memref<!tpu.dma_semaphore, #tpu.memory_space<semaphore_mem>>) attributes {dimension_semantics = [#tpu.dimension_semantics<core_parallel>, #tpu.dimension_semantics<subcore_parallel>], iteration_bounds = array<i64: 2, 16>, scalar_prefetch = 0 : i64, scratch_operands = 7 : i64, tpu.core_type = #tpu.core_type<sc_vector_subcore>, window_params = [{transform_indices = #map}, {transform_indices = #map1}, {transform_indices = #map}]} {
    %mul3A = arith.constant 2 : i32
    %mul3A_0 = arith.muli %arg1, %mul3A : i32
    %add3A = arith.addi %mul3A_0, %arg0 : i32
    "tpu.region"() ({
      %run_scoped3A = tpu.sem_alloc : memref<!tpu.dma_semaphore, #tpu.memory_space<semaphore_mem>>
      %dma_start3A_175 = arith.constant 0 : i32
      %dma_start3A_176 = arith.constant 0 : i32
      %dma_start3A_177 = tpu.memref_slice %arg3[%add3A, %dma_start3A_175, %dma_start3A_176] : memref<32x4x64xi32, #tpu.memory_space<hbm>> -> memref<1x4x64xi32, #tpu.memory_space<hbm>>
      %dma_start3A_178 = tpu.memref_squeeze %dma_start3A_177 : memref<1x4x64xi32, #tpu.memory_space<hbm>> -> memref<4x64xi32, #tpu.memory_space<hbm>>
      %dma_start3A_179 = arith.constant 0 : i32
      %dma_start3A_180 = arith.constant 0 : i32
      %dma_start3A_181 = tpu.memref_slice %arg3[%add3A, %dma_start3A_179, %dma_start3A_180] : memref<32x4x64xi32, #tpu.memory_space<hbm>> -> memref<1x4x64xi32, #tpu.memory_space<hbm>>
      %dma_start3A_182 = tpu.memref_squeeze %dma_start3A_181 : memref<1x4x64xi32, #tpu.memory_space<hbm>> -> memref<4x64xi32, #tpu.memory_space<hbm>>
      tpu.enqueue_dma source(%dma_start3A_182 : memref<4x64xi32, #tpu.memory_space<hbm>>) target(%arg5 : memref<4x64xi32, #tpu.memory_space<vmem>>) target_semaphore(%run_scoped3A : memref<!tpu.dma_semaphore, #tpu.memory_space<semaphore_mem>>)
      %dma_wait3A_183 = arith.constant 0 : i32
      %dma_wait3A_184 = arith.constant 0 : i32
      %dma_wait3A_185 = tpu.memref_slice %arg3[%add3A, %dma_wait3A_183, %dma_wait3A_184] : memref<32x4x64xi32, #tpu.memory_space<hbm>> -> memref<1x4x64xi32, #tpu.memory_space<hbm>>
      %dma_wait3A_186 = tpu.memref_squeeze %dma_wait3A_185 : memref<1x4x64xi32, #tpu.memory_space<hbm>> -> memref<4x64xi32, #tpu.memory_space<hbm>>
      %dma_wait3A_187 = arith.constant 0 : i32
      %dma_wait3A_188 = arith.constant 0 : i32
      %dma_wait3A_189 = tpu.memref_slice %arg3[%add3A, %dma_wait3A_187, %dma_wait3A_188] : memref<32x4x64xi32, #tpu.memory_space<hbm>> -> memref<1x4x64xi32, #tpu.memory_space<hbm>>
      %dma_wait3A_190 = tpu.memref_squeeze %dma_wait3A_189 : memref<1x4x64xi32, #tpu.memory_space<hbm>> -> memref<4x64xi32, #tpu.memory_space<hbm>>
      tpu.wait_dma2 semaphore(%run_scoped3A : memref<!tpu.dma_semaphore, #tpu.memory_space<semaphore_mem>>) src(%dma_wait3A_190 : memref<4x64xi32, #tpu.memory_space<hbm>>) dst(%arg5 : memref<4x64xi32, #tpu.memory_space<vmem>>)
      tpu.yield
    }) : () -> ()
    %dma_start3A = arith.constant 0 : i32
    %dma_start3A_1 = arith.constant 0 : i32
    %dma_start3A_2 = arith.constant 0 : i32
    %dma_start3A_3 = tpu.memref_slice %arg6[%dma_start3A_1, %dma_start3A_2] : memref<256x256xf32, #tpu.memory_space<vmem>> -> memref<64x256xf32, #tpu.memory_space<vmem>>
    %dma_start3A_4 = arith.constant 0 : i32
    %dma_start3A_5 = tpu.memref_slice %arg5[%dma_start3A, %dma_start3A_4] : memref<4x64xi32, #tpu.memory_space<vmem>> -> memref<1x64xi32, #tpu.memory_space<vmem>>
    %dma_start3A_6 = tpu.memref_squeeze %dma_start3A_5 : memref<1x64xi32, #tpu.memory_space<vmem>> -> memref<64xi32, #tpu.memory_space<vmem>>
    %dma_start3A_7 = arith.constant 0 : i32
    %dma_start3A_8 = arith.constant 0 : i32
    %dma_start3A_9 = tpu.memref_slice %arg2[%dma_start3A_7, %dma_start3A_8] : memref<8192x256xf32, #tpu.memory_space<hbm>> -> memref<8192x256xf32, #tpu.memory_space<hbm>>
    tpu.enqueue_indirect_dma source(%dma_start3A_9 : memref<8192x256xf32, #tpu.memory_space<hbm>>) target(%dma_start3A_3 : memref<64x256xf32, #tpu.memory_space<vmem>>) offsets(%dma_start3A_6 : memref<64xi32, #tpu.memory_space<vmem>>) semaphore(%arg7 : memref<!tpu.dma_semaphore, #tpu.memory_space<semaphore_mem>>)
    %dma_start3A_10 = arith.constant 1 : i32
    %dma_start3A_11 = arith.constant 64 : i32
    %dma_start3A_12 = arith.constant 0 : i32
    %dma_start3A_13 = tpu.memref_slice %arg6[%dma_start3A_11, %dma_start3A_12] : memref<256x256xf32, #tpu.memory_space<vmem>> -> memref<64x256xf32, #tpu.memory_space<vmem>>
    %dma_start3A_14 = arith.constant 0 : i32
    %dma_start3A_15 = tpu.memref_slice %arg5[%dma_start3A_10, %dma_start3A_14] : memref<4x64xi32, #tpu.memory_space<vmem>> -> memref<1x64xi32, #tpu.memory_space<vmem>>
    %dma_start3A_16 = tpu.memref_squeeze %dma_start3A_15 : memref<1x64xi32, #tpu.memory_space<vmem>> -> memref<64xi32, #tpu.memory_space<vmem>>
    %dma_start3A_17 = arith.constant 0 : i32
    %dma_start3A_18 = arith.constant 0 : i32
    %dma_start3A_19 = tpu.memref_slice %arg2[%dma_start3A_17, %dma_start3A_18] : memref<8192x256xf32, #tpu.memory_space<hbm>> -> memref<8192x256xf32, #tpu.memory_space<hbm>>
    tpu.enqueue_indirect_dma source(%dma_start3A_19 : memref<8192x256xf32, #tpu.memory_space<hbm>>) target(%dma_start3A_13 : memref<64x256xf32, #tpu.memory_space<vmem>>) offsets(%dma_start3A_16 : memref<64xi32, #tpu.memory_space<vmem>>) semaphore(%arg8 : memref<!tpu.dma_semaphore, #tpu.memory_space<semaphore_mem>>)
    %dma_start3A_20 = arith.constant 2 : i32
    %dma_start3A_21 = arith.constant 128 : i32
    %dma_start3A_22 = arith.constant 0 : i32
    %dma_start3A_23 = tpu.memref_slice %arg6[%dma_start3A_21, %dma_start3A_22] : memref<256x256xf32, #tpu.memory_space<vmem>> -> memref<64x256xf32, #tpu.memory_space<vmem>>
    %dma_start3A_24 = arith.constant 0 : i32
    %dma_start3A_25 = tpu.memref_slice %arg5[%dma_start3A_20, %dma_start3A_24] : memref<4x64xi32, #tpu.memory_space<vmem>> -> memref<1x64xi32, #tpu.memory_space<vmem>>
    %dma_start3A_26 = tpu.memref_squeeze %dma_start3A_25 : memref<1x64xi32, #tpu.memory_space<vmem>> -> memref<64xi32, #tpu.memory_space<vmem>>
    %dma_start3A_27 = arith.constant 0 : i32
    %dma_start3A_28 = arith.constant 0 : i32
    %dma_start3A_29 = tpu.memref_slice %arg2[%dma_start3A_27, %dma_start3A_28] : memref<8192x256xf32, #tpu.memory_space<hbm>> -> memref<8192x256xf32, #tpu.memory_space<hbm>>
    tpu.enqueue_indirect_dma source(%dma_start3A_29 : memref<8192x256xf32, #tpu.memory_space<hbm>>) target(%dma_start3A_23 : memref<64x256xf32, #tpu.memory_space<vmem>>) offsets(%dma_start3A_26 : memref<64xi32, #tpu.memory_space<vmem>>) semaphore(%arg9 : memref<!tpu.dma_semaphore, #tpu.memory_space<semaphore_mem>>)
    %dma_start3A_30 = arith.constant 3 : i32
    %dma_start3A_31 = arith.constant 192 : i32
    %dma_start3A_32 = arith.constant 0 : i32
    %dma_start3A_33 = tpu.memref_slice %arg6[%dma_start3A_31, %dma_start3A_32] : memref<256x256xf32, #tpu.memory_space<vmem>> -> memref<64x256xf32, #tpu.memory_space<vmem>>
    %dma_start3A_34 = arith.constant 0 : i32
    %dma_start3A_35 = tpu.memref_slice %arg5[%dma_start3A_30, %dma_start3A_34] : memref<4x64xi32, #tpu.memory_space<vmem>> -> memref<1x64xi32, #tpu.memory_space<vmem>>
    %dma_start3A_36 = tpu.memref_squeeze %dma_start3A_35 : memref<1x64xi32, #tpu.memory_space<vmem>> -> memref<64xi32, #tpu.memory_space<vmem>>
    %dma_start3A_37 = arith.constant 0 : i32
    %dma_start3A_38 = arith.constant 0 : i32
    %dma_start3A_39 = tpu.memref_slice %arg2[%dma_start3A_37, %dma_start3A_38] : memref<8192x256xf32, #tpu.memory_space<hbm>> -> memref<8192x256xf32, #tpu.memory_space<hbm>>
    tpu.enqueue_indirect_dma source(%dma_start3A_39 : memref<8192x256xf32, #tpu.memory_space<hbm>>) target(%dma_start3A_33 : memref<64x256xf32, #tpu.memory_space<vmem>>) offsets(%dma_start3A_36 : memref<64xi32, #tpu.memory_space<vmem>>) semaphore(%arg10 : memref<!tpu.dma_semaphore, #tpu.memory_space<semaphore_mem>>)
    %dma_wait3A = arith.constant 0 : i32
    %dma_wait3A_40 = arith.constant 0 : i32
    %dma_wait3A_41 = arith.constant 0 : i32
    %dma_wait3A_42 = tpu.memref_slice %arg6[%dma_wait3A_40, %dma_wait3A_41] : memref<256x256xf32, #tpu.memory_space<vmem>> -> memref<64x256xf32, #tpu.memory_space<vmem>>
    %dma_wait3A_43 = arith.constant 0 : i32
    %dma_wait3A_44 = tpu.memref_slice %arg5[%dma_wait3A, %dma_wait3A_43] : memref<4x64xi32, #tpu.memory_space<vmem>> -> memref<1x64xi32, #tpu.memory_space<vmem>>
    %dma_wait3A_45 = tpu.memref_squeeze %dma_wait3A_44 : memref<1x64xi32, #tpu.memory_space<vmem>> -> memref<64xi32, #tpu.memory_space<vmem>>
    %dma_wait3A_46 = arith.constant 0 : i32
    %dma_wait3A_47 = arith.constant 0 : i32
    %dma_wait3A_48 = tpu.memref_slice %arg2[%dma_wait3A_46, %dma_wait3A_47] : memref<8192x256xf32, #tpu.memory_space<hbm>> -> memref<8192x256xf32, #tpu.memory_space<hbm>>
    tpu.wait_indirect_dma semaphore(%arg7 : memref<!tpu.dma_semaphore, #tpu.memory_space<semaphore_mem>>) src(%dma_wait3A_48 : memref<8192x256xf32, #tpu.memory_space<hbm>>) dst(%dma_wait3A_42 : memref<64x256xf32, #tpu.memory_space<vmem>>)
    %mul3A_49 = arith.constant 256 : i32
    %mul3A_50 = arith.muli %add3A, %mul3A_49 : i32
    %add3A_51 = arith.constant 0 : i32
    %add3A_52 = arith.addi %mul3A_50, %add3A_51 : i32
    %dma_start3A_53 = arith.constant 0 : i32
    %dma_start3A_54 = arith.constant 0 : i32
    %dma_start3A_55 = tpu.memref_slice %arg6[%dma_start3A_53, %dma_start3A_54] : memref<256x256xf32, #tpu.memory_space<vmem>> -> memref<64x256xf32, #tpu.memory_space<vmem>>
    %dma_start3A_56 = arith.constant 0 : i32
    %dma_start3A_57 = tpu.memref_slice %arg4[%add3A_52, %dma_start3A_56] : memref<8192x256xf32, #tpu.memory_space<hbm>> -> memref<64x256xf32, #tpu.memory_space<hbm>>
    %dma_start3A_58 = arith.constant 0 : i32
    %dma_start3A_59 = tpu.memref_slice %arg4[%add3A_52, %dma_start3A_58] : memref<8192x256xf32, #tpu.memory_space<hbm>> -> memref<64x256xf32, #tpu.memory_space<hbm>>
    %dma_start3A_60 = arith.constant 0 : i32
    %dma_start3A_61 = arith.constant 0 : i32
    %dma_start3A_62 = tpu.memref_slice %arg6[%dma_start3A_60, %dma_start3A_61] : memref<256x256xf32, #tpu.memory_space<vmem>> -> memref<64x256xf32, #tpu.memory_space<vmem>>
    tpu.enqueue_dma source(%dma_start3A_62 : memref<64x256xf32, #tpu.memory_space<vmem>>) target(%dma_start3A_59 : memref<64x256xf32, #tpu.memory_space<hbm>>) target_semaphore(%arg11 : memref<!tpu.dma_semaphore, #tpu.memory_space<semaphore_mem>>)
    %dma_wait3A_63 = arith.constant 1 : i32
    %dma_wait3A_64 = arith.constant 64 : i32
    %dma_wait3A_65 = arith.constant 0 : i32
    %dma_wait3A_66 = tpu.memref_slice %arg6[%dma_wait3A_64, %dma_wait3A_65] : memref<256x256xf32, #tpu.memory_space<vmem>> -> memref<64x256xf32, #tpu.memory_space<vmem>>
    %dma_wait3A_67 = arith.constant 0 : i32
    %dma_wait3A_68 = tpu.memref_slice %arg5[%dma_wait3A_63, %dma_wait3A_67] : memref<4x64xi32, #tpu.memory_space<vmem>> -> memref<1x64xi32, #tpu.memory_space<vmem>>
    %dma_wait3A_69 = tpu.memref_squeeze %dma_wait3A_68 : memref<1x64xi32, #tpu.memory_space<vmem>> -> memref<64xi32, #tpu.memory_space<vmem>>
    %dma_wait3A_70 = arith.constant 0 : i32
    %dma_wait3A_71 = arith.constant 0 : i32
    %dma_wait3A_72 = tpu.memref_slice %arg2[%dma_wait3A_70, %dma_wait3A_71] : memref<8192x256xf32, #tpu.memory_space<hbm>> -> memref<8192x256xf32, #tpu.memory_space<hbm>>
    tpu.wait_indirect_dma semaphore(%arg8 : memref<!tpu.dma_semaphore, #tpu.memory_space<semaphore_mem>>) src(%dma_wait3A_72 : memref<8192x256xf32, #tpu.memory_space<hbm>>) dst(%dma_wait3A_66 : memref<64x256xf32, #tpu.memory_space<vmem>>)
    %mul3A_73 = arith.constant 256 : i32
    %mul3A_74 = arith.muli %add3A, %mul3A_73 : i32
    %add3A_75 = arith.constant 64 : i32
    %add3A_76 = arith.addi %mul3A_74, %add3A_75 : i32
    %dma_start3A_77 = arith.constant 64 : i32
    %dma_start3A_78 = arith.constant 0 : i32
    %dma_start3A_79 = tpu.memref_slice %arg6[%dma_start3A_77, %dma_start3A_78] : memref<256x256xf32, #tpu.memory_space<vmem>> -> memref<64x256xf32, #tpu.memory_space<vmem>>
    %dma_start3A_80 = arith.constant 0 : i32
    %dma_start3A_81 = tpu.memref_slice %arg4[%add3A_76, %dma_start3A_80] : memref<8192x256xf32, #tpu.memory_space<hbm>> -> memref<64x256xf32, #tpu.memory_space<hbm>>
    %dma_start3A_82 = arith.constant 0 : i32
    %dma_start3A_83 = tpu.memref_slice %arg4[%add3A_76, %dma_start3A_82] : memref<8192x256xf32, #tpu.memory_space<hbm>> -> memref<64x256xf32, #tpu.memory_space<hbm>>
    %dma_start3A_84 = arith.constant 64 : i32
    %dma_start3A_85 = arith.constant 0 : i32
    %dma_start3A_86 = tpu.memref_slice %arg6[%dma_start3A_84, %dma_start3A_85] : memref<256x256xf32, #tpu.memory_space<vmem>> -> memref<64x256xf32, #tpu.memory_space<vmem>>
    tpu.enqueue_dma source(%dma_start3A_86 : memref<64x256xf32, #tpu.memory_space<vmem>>) target(%dma_start3A_83 : memref<64x256xf32, #tpu.memory_space<hbm>>) target_semaphore(%arg11 : memref<!tpu.dma_semaphore, #tpu.memory_space<semaphore_mem>>)
    %dma_wait3A_87 = arith.constant 2 : i32
    %dma_wait3A_88 = arith.constant 128 : i32
    %dma_wait3A_89 = arith.constant 0 : i32
    %dma_wait3A_90 = tpu.memref_slice %arg6[%dma_wait3A_88, %dma_wait3A_89] : memref<256x256xf32, #tpu.memory_space<vmem>> -> memref<64x256xf32, #tpu.memory_space<vmem>>
    %dma_wait3A_91 = arith.constant 0 : i32
    %dma_wait3A_92 = tpu.memref_slice %arg5[%dma_wait3A_87, %dma_wait3A_91] : memref<4x64xi32, #tpu.memory_space<vmem>> -> memref<1x64xi32, #tpu.memory_space<vmem>>
    %dma_wait3A_93 = tpu.memref_squeeze %dma_wait3A_92 : memref<1x64xi32, #tpu.memory_space<vmem>> -> memref<64xi32, #tpu.memory_space<vmem>>
    %dma_wait3A_94 = arith.constant 0 : i32
    %dma_wait3A_95 = arith.constant 0 : i32
    %dma_wait3A_96 = tpu.memref_slice %arg2[%dma_wait3A_94, %dma_wait3A_95] : memref<8192x256xf32, #tpu.memory_space<hbm>> -> memref<8192x256xf32, #tpu.memory_space<hbm>>
    tpu.wait_indirect_dma semaphore(%arg9 : memref<!tpu.dma_semaphore, #tpu.memory_space<semaphore_mem>>) src(%dma_wait3A_96 : memref<8192x256xf32, #tpu.memory_space<hbm>>) dst(%dma_wait3A_90 : memref<64x256xf32, #tpu.memory_space<vmem>>)
    %mul3A_97 = arith.constant 256 : i32
    %mul3A_98 = arith.muli %add3A, %mul3A_97 : i32
    %add3A_99 = arith.constant 128 : i32
    %add3A_100 = arith.addi %mul3A_98, %add3A_99 : i32
    %dma_start3A_101 = arith.constant 128 : i32
    %dma_start3A_102 = arith.constant 0 : i32
    %dma_start3A_103 = tpu.memref_slice %arg6[%dma_start3A_101, %dma_start3A_102] : memref<256x256xf32, #tpu.memory_space<vmem>> -> memref<64x256xf32, #tpu.memory_space<vmem>>
    %dma_start3A_104 = arith.constant 0 : i32
    %dma_start3A_105 = tpu.memref_slice %arg4[%add3A_100, %dma_start3A_104] : memref<8192x256xf32, #tpu.memory_space<hbm>> -> memref<64x256xf32, #tpu.memory_space<hbm>>
    %dma_start3A_106 = arith.constant 0 : i32
    %dma_start3A_107 = tpu.memref_slice %arg4[%add3A_100, %dma_start3A_106] : memref<8192x256xf32, #tpu.memory_space<hbm>> -> memref<64x256xf32, #tpu.memory_space<hbm>>
    %dma_start3A_108 = arith.constant 128 : i32
    %dma_start3A_109 = arith.constant 0 : i32
    %dma_start3A_110 = tpu.memref_slice %arg6[%dma_start3A_108, %dma_start3A_109] : memref<256x256xf32, #tpu.memory_space<vmem>> -> memref<64x256xf32, #tpu.memory_space<vmem>>
    tpu.enqueue_dma source(%dma_start3A_110 : memref<64x256xf32, #tpu.memory_space<vmem>>) target(%dma_start3A_107 : memref<64x256xf32, #tpu.memory_space<hbm>>) target_semaphore(%arg11 : memref<!tpu.dma_semaphore, #tpu.memory_space<semaphore_mem>>)
    %dma_wait3A_111 = arith.constant 3 : i32
    %dma_wait3A_112 = arith.constant 192 : i32
    %dma_wait3A_113 = arith.constant 0 : i32
    %dma_wait3A_114 = tpu.memref_slice %arg6[%dma_wait3A_112, %dma_wait3A_113] : memref<256x256xf32, #tpu.memory_space<vmem>> -> memref<64x256xf32, #tpu.memory_space<vmem>>
    %dma_wait3A_115 = arith.constant 0 : i32
    %dma_wait3A_116 = tpu.memref_slice %arg5[%dma_wait3A_111, %dma_wait3A_115] : memref<4x64xi32, #tpu.memory_space<vmem>> -> memref<1x64xi32, #tpu.memory_space<vmem>>
    %dma_wait3A_117 = tpu.memref_squeeze %dma_wait3A_116 : memref<1x64xi32, #tpu.memory_space<vmem>> -> memref<64xi32, #tpu.memory_space<vmem>>
    %dma_wait3A_118 = arith.constant 0 : i32
    %dma_wait3A_119 = arith.constant 0 : i32
    %dma_wait3A_120 = tpu.memref_slice %arg2[%dma_wait3A_118, %dma_wait3A_119] : memref<8192x256xf32, #tpu.memory_space<hbm>> -> memref<8192x256xf32, #tpu.memory_space<hbm>>
    tpu.wait_indirect_dma semaphore(%arg10 : memref<!tpu.dma_semaphore, #tpu.memory_space<semaphore_mem>>) src(%dma_wait3A_120 : memref<8192x256xf32, #tpu.memory_space<hbm>>) dst(%dma_wait3A_114 : memref<64x256xf32, #tpu.memory_space<vmem>>)
    %mul3A_121 = arith.constant 256 : i32
    %mul3A_122 = arith.muli %add3A, %mul3A_121 : i32
    %add3A_123 = arith.constant 192 : i32
    %add3A_124 = arith.addi %mul3A_122, %add3A_123 : i32
    %dma_start3A_125 = arith.constant 192 : i32
    %dma_start3A_126 = arith.constant 0 : i32
    %dma_start3A_127 = tpu.memref_slice %arg6[%dma_start3A_125, %dma_start3A_126] : memref<256x256xf32, #tpu.memory_space<vmem>> -> memref<64x256xf32, #tpu.memory_space<vmem>>
    %dma_start3A_128 = arith.constant 0 : i32
    %dma_start3A_129 = tpu.memref_slice %arg4[%add3A_124, %dma_start3A_128] : memref<8192x256xf32, #tpu.memory_space<hbm>> -> memref<64x256xf32, #tpu.memory_space<hbm>>
    %dma_start3A_130 = arith.constant 0 : i32
    %dma_start3A_131 = tpu.memref_slice %arg4[%add3A_124, %dma_start3A_130] : memref<8192x256xf32, #tpu.memory_space<hbm>> -> memref<64x256xf32, #tpu.memory_space<hbm>>
    %dma_start3A_132 = arith.constant 192 : i32
    %dma_start3A_133 = arith.constant 0 : i32
    %dma_start3A_134 = tpu.memref_slice %arg6[%dma_start3A_132, %dma_start3A_133] : memref<256x256xf32, #tpu.memory_space<vmem>> -> memref<64x256xf32, #tpu.memory_space<vmem>>
    tpu.enqueue_dma source(%dma_start3A_134 : memref<64x256xf32, #tpu.memory_space<vmem>>) target(%dma_start3A_131 : memref<64x256xf32, #tpu.memory_space<hbm>>) target_semaphore(%arg11 : memref<!tpu.dma_semaphore, #tpu.memory_space<semaphore_mem>>)
    %dma_wait3A_135 = arith.constant 0 : i32
    %dma_wait3A_136 = arith.constant 0 : i32
    %dma_wait3A_137 = tpu.memref_slice %arg6[%dma_wait3A_135, %dma_wait3A_136] : memref<256x256xf32, #tpu.memory_space<vmem>> -> memref<64x256xf32, #tpu.memory_space<vmem>>
    %dma_wait3A_138 = arith.constant 0 : i32
    %dma_wait3A_139 = tpu.memref_slice %arg4[%add3A_52, %dma_wait3A_138] : memref<8192x256xf32, #tpu.memory_space<hbm>> -> memref<64x256xf32, #tpu.memory_space<hbm>>
    %dma_wait3A_140 = arith.constant 0 : i32
    %dma_wait3A_141 = tpu.memref_slice %arg4[%add3A_52, %dma_wait3A_140] : memref<8192x256xf32, #tpu.memory_space<hbm>> -> memref<64x256xf32, #tpu.memory_space<hbm>>
    %dma_wait3A_142 = arith.constant 0 : i32
    %dma_wait3A_143 = arith.constant 0 : i32
    %dma_wait3A_144 = tpu.memref_slice %arg6[%dma_wait3A_142, %dma_wait3A_143] : memref<256x256xf32, #tpu.memory_space<vmem>> -> memref<64x256xf32, #tpu.memory_space<vmem>>
    tpu.wait_dma2 semaphore(%arg11 : memref<!tpu.dma_semaphore, #tpu.memory_space<semaphore_mem>>) src(%dma_wait3A_144 : memref<64x256xf32, #tpu.memory_space<vmem>>) dst(%dma_wait3A_141 : memref<64x256xf32, #tpu.memory_space<hbm>>)
    %dma_wait3A_145 = arith.constant 64 : i32
    %dma_wait3A_146 = arith.constant 0 : i32
    %dma_wait3A_147 = tpu.memref_slice %arg6[%dma_wait3A_145, %dma_wait3A_146] : memref<256x256xf32, #tpu.memory_space<vmem>> -> memref<64x256xf32, #tpu.memory_space<vmem>>
    %dma_wait3A_148 = arith.constant 0 : i32
    %dma_wait3A_149 = tpu.memref_slice %arg4[%add3A_76, %dma_wait3A_148] : memref<8192x256xf32, #tpu.memory_space<hbm>> -> memref<64x256xf32, #tpu.memory_space<hbm>>
    %dma_wait3A_150 = arith.constant 0 : i32
    %dma_wait3A_151 = tpu.memref_slice %arg4[%add3A_76, %dma_wait3A_150] : memref<8192x256xf32, #tpu.memory_space<hbm>> -> memref<64x256xf32, #tpu.memory_space<hbm>>
    %dma_wait3A_152 = arith.constant 64 : i32
    %dma_wait3A_153 = arith.constant 0 : i32
    %dma_wait3A_154 = tpu.memref_slice %arg6[%dma_wait3A_152, %dma_wait3A_153] : memref<256x256xf32, #tpu.memory_space<vmem>> -> memref<64x256xf32, #tpu.memory_space<vmem>>
    tpu.wait_dma2 semaphore(%arg11 : memref<!tpu.dma_semaphore, #tpu.memory_space<semaphore_mem>>) src(%dma_wait3A_154 : memref<64x256xf32, #tpu.memory_space<vmem>>) dst(%dma_wait3A_151 : memref<64x256xf32, #tpu.memory_space<hbm>>)
    %dma_wait3A_155 = arith.constant 128 : i32
    %dma_wait3A_156 = arith.constant 0 : i32
    %dma_wait3A_157 = tpu.memref_slice %arg6[%dma_wait3A_155, %dma_wait3A_156] : memref<256x256xf32, #tpu.memory_space<vmem>> -> memref<64x256xf32, #tpu.memory_space<vmem>>
    %dma_wait3A_158 = arith.constant 0 : i32
    %dma_wait3A_159 = tpu.memref_slice %arg4[%add3A_100, %dma_wait3A_158] : memref<8192x256xf32, #tpu.memory_space<hbm>> -> memref<64x256xf32, #tpu.memory_space<hbm>>
    %dma_wait3A_160 = arith.constant 0 : i32
    %dma_wait3A_161 = tpu.memref_slice %arg4[%add3A_100, %dma_wait3A_160] : memref<8192x256xf32, #tpu.memory_space<hbm>> -> memref<64x256xf32, #tpu.memory_space<hbm>>
    %dma_wait3A_162 = arith.constant 128 : i32
    %dma_wait3A_163 = arith.constant 0 : i32
    %dma_wait3A_164 = tpu.memref_slice %arg6[%dma_wait3A_162, %dma_wait3A_163] : memref<256x256xf32, #tpu.memory_space<vmem>> -> memref<64x256xf32, #tpu.memory_space<vmem>>
    tpu.wait_dma2 semaphore(%arg11 : memref<!tpu.dma_semaphore, #tpu.memory_space<semaphore_mem>>) src(%dma_wait3A_164 : memref<64x256xf32, #tpu.memory_space<vmem>>) dst(%dma_wait3A_161 : memref<64x256xf32, #tpu.memory_space<hbm>>)
    %dma_wait3A_165 = arith.constant 192 : i32
    %dma_wait3A_166 = arith.constant 0 : i32
    %dma_wait3A_167 = tpu.memref_slice %arg6[%dma_wait3A_165, %dma_wait3A_166] : memref<256x256xf32, #tpu.memory_space<vmem>> -> memref<64x256xf32, #tpu.memory_space<vmem>>
    %dma_wait3A_168 = arith.constant 0 : i32
    %dma_wait3A_169 = tpu.memref_slice %arg4[%add3A_124, %dma_wait3A_168] : memref<8192x256xf32, #tpu.memory_space<hbm>> -> memref<64x256xf32, #tpu.memory_space<hbm>>
    %dma_wait3A_170 = arith.constant 0 : i32
    %dma_wait3A_171 = tpu.memref_slice %arg4[%add3A_124, %dma_wait3A_170] : memref<8192x256xf32, #tpu.memory_space<hbm>> -> memref<64x256xf32, #tpu.memory_space<hbm>>
    %dma_wait3A_172 = arith.constant 192 : i32
    %dma_wait3A_173 = arith.constant 0 : i32
    %dma_wait3A_174 = tpu.memref_slice %arg6[%dma_wait3A_172, %dma_wait3A_173] : memref<256x256xf32, #tpu.memory_space<vmem>> -> memref<64x256xf32, #tpu.memory_space<vmem>>
    tpu.wait_dma2 semaphore(%arg11 : memref<!tpu.dma_semaphore, #tpu.memory_space<semaphore_mem>>) src(%dma_wait3A_174 : memref<64x256xf32, #tpu.memory_space<vmem>>) dst(%dma_wait3A_171 : memref<64x256xf32, #tpu.memory_space<hbm>>)
    return
  }
}

module attributes {stable_mosaic.version = 14 : i64} {
  func.func @_dist_argmin_kernel(%arg0: i32, %arg1: memref<1x256x1024xf32, #tpu.memory_space<vmem>>, %arg2: memref<8192x256xf32, #tpu.memory_space<vmem>>, %arg3: memref<1x1x1024xi32, #tpu.memory_space<vmem>>, %arg4: memref<1x1xf32, #tpu.memory_space<smem>>, %arg5: memref<8192x1xf32, #tpu.memory_space<vmem>>) attributes {dimension_semantics = [#tpu.dimension_semantics<arbitrary>], iteration_bounds = array<i64: 8>, scalar_prefetch = 0 : i64, scratch_operands = 1 : i64, tpu.core_type = #tpu.core_type<tc>, window_params = [{transform_indices = @transform_0, window_bounds = array<i64: 1, 256, 1024>}, {pipeline_mode = #tpu.pipeline_mode<synchronous>, transform_indices = @transform_1, window_bounds = array<i64: 8192, 256>}, {transform_indices = @transform_2, window_bounds = array<i64: 1, 1, 1024>}, {transform_indices = @transform_3, window_bounds = array<i64: 1, 1>}]} {
    %get3A = arith.constant 0 : index
    %get3A_0 = arith.constant 0 : index
    %get3A_1 = arith.constant 0 : index
    %get3A_2 = vector.load %arg1[%get3A, %get3A_0, %get3A_1] : memref<1x256x1024xf32, #tpu.memory_space<vmem>>, vector<1x256x1024xf32>
    %get3A_3 = vector.shape_cast %get3A_2 : vector<1x256x1024xf32> to vector<256x1024xf32>
    %eq3A = arith.constant 0 : i32
    %eq3A_4 = arith.cmpi eq, %arg0, %eq3A : i32
    %convert_element_type3A = arith.extui %eq3A_4 : i1 to i32
    %cond3A = arith.constant 0 : i32
    %cond3A_5 = arith.cmpi ne, %convert_element_type3A, %cond3A : i32
    scf.if %cond3A_5 {
      %get3A_103 = arith.constant 0 : index
      %get3A_104 = arith.constant 0 : index
      %get3A_105 = vector.load %arg2[%get3A_103, %get3A_104] : memref<8192x256xf32, #tpu.memory_space<vmem>>, vector<2048x256xf32>
      %mul3A_106 = arith.mulf %get3A_105, %get3A_105 : vector<2048x256xf32>
      %reduce_sum3A_107 = arith.constant dense<0.000000e+00> : vector<2048xf32>
      %reduce_sum3A_108 = vector.multi_reduction <add>, %mul3A_106, %reduce_sum3A_107 [1] : vector<2048x256xf32> to vector<2048xf32>
      %broadcast_in_dim3A_109 = vector.shape_cast %reduce_sum3A_108 : vector<2048xf32> to vector<2048x1xf32>
      %mul3A_110 = arith.constant 5.000000e-01 : f32
      %mul3A_111 = vector.broadcast %mul3A_110 : f32 to vector<2048x1xf32>
      %mul3A_112 = arith.mulf %mul3A_111, %broadcast_in_dim3A_109 : vector<2048x1xf32>
      %swap3A_113 = arith.constant 0 : index
      %swap3A_114 = arith.constant 0 : index
      %swap3A_115 = vector.load %arg5[%swap3A_113, %swap3A_114] : memref<8192x1xf32, #tpu.memory_space<vmem>>, vector<2048x1xf32>
      tpu.vector_store %arg5[%swap3A_113, %swap3A_114], %mul3A_112 {strides = array<i32>} : memref<8192x1xf32, #tpu.memory_space<vmem>>, vector<2048x1xf32>,
      %get3A_116 = arith.constant 2048 : index
      %get3A_117 = arith.constant 0 : index
      %get3A_118 = vector.load %arg2[%get3A_116, %get3A_117] : memref<8192x256xf32, #tpu.memory_space<vmem>>, vector<2048x256xf32>
      %mul3A_119 = arith.mulf %get3A_118, %get3A_118 : vector<2048x256xf32>
      %reduce_sum3A_120 = arith.constant dense<0.000000e+00> : vector<2048xf32>
      %reduce_sum3A_121 = vector.multi_reduction <add>, %mul3A_119, %reduce_sum3A_120 [1] : vector<2048x256xf32> to vector<2048xf32>
      %broadcast_in_dim3A_122 = vector.shape_cast %reduce_sum3A_121 : vector<2048xf32> to vector<2048x1xf32>
      %mul3A_123 = arith.constant 5.000000e-01 : f32
      %mul3A_124 = vector.broadcast %mul3A_123 : f32 to vector<2048x1xf32>
      %mul3A_125 = arith.mulf %mul3A_124, %broadcast_in_dim3A_122 : vector<2048x1xf32>
      %swap3A_126 = arith.constant 2048 : index
      %swap3A_127 = arith.constant 0 : index
      %swap3A_128 = vector.load %arg5[%swap3A_126, %swap3A_127] : memref<8192x1xf32, #tpu.memory_space<vmem>>, vector<2048x1xf32>
      tpu.vector_store %arg5[%swap3A_126, %swap3A_127], %mul3A_125 {strides = array<i32>} : memref<8192x1xf32, #tpu.memory_space<vmem>>, vector<2048x1xf32>,
      %get3A_129 = arith.constant 4096 : index
      %get3A_130 = arith.constant 0 : index
      %get3A_131 = vector.load %arg2[%get3A_129, %get3A_130] : memref<8192x256xf32, #tpu.memory_space<vmem>>, vector<2048x256xf32>
      %mul3A_132 = arith.mulf %get3A_131, %get3A_131 : vector<2048x256xf32>
      %reduce_sum3A_133 = arith.constant dense<0.000000e+00> : vector<2048xf32>
      %reduce_sum3A_134 = vector.multi_reduction <add>, %mul3A_132, %reduce_sum3A_133 [1] : vector<2048x256xf32> to vector<2048xf32>
      %broadcast_in_dim3A_135 = vector.shape_cast %reduce_sum3A_134 : vector<2048xf32> to vector<2048x1xf32>
      %mul3A_136 = arith.constant 5.000000e-01 : f32
      %mul3A_137 = vector.broadcast %mul3A_136 : f32 to vector<2048x1xf32>
      %mul3A_138 = arith.mulf %mul3A_137, %broadcast_in_dim3A_135 : vector<2048x1xf32>
      %swap3A_139 = arith.constant 4096 : index
      %swap3A_140 = arith.constant 0 : index
      %swap3A_141 = vector.load %arg5[%swap3A_139, %swap3A_140] : memref<8192x1xf32, #tpu.memory_space<vmem>>, vector<2048x1xf32>
      tpu.vector_store %arg5[%swap3A_139, %swap3A_140], %mul3A_138 {strides = array<i32>} : memref<8192x1xf32, #tpu.memory_space<vmem>>, vector<2048x1xf32>,
      %get3A_142 = arith.constant 6144 : index
      %get3A_143 = arith.constant 0 : index
      %get3A_144 = vector.load %arg2[%get3A_142, %get3A_143] : memref<8192x256xf32, #tpu.memory_space<vmem>>, vector<2048x256xf32>
      %mul3A_145 = arith.mulf %get3A_144, %get3A_144 : vector<2048x256xf32>
      %reduce_sum3A_146 = arith.constant dense<0.000000e+00> : vector<2048xf32>
      %reduce_sum3A_147 = vector.multi_reduction <add>, %mul3A_145, %reduce_sum3A_146 [1] : vector<2048x256xf32> to vector<2048xf32>
      %broadcast_in_dim3A_148 = vector.shape_cast %reduce_sum3A_147 : vector<2048xf32> to vector<2048x1xf32>
      %mul3A_149 = arith.constant 5.000000e-01 : f32
      %mul3A_150 = vector.broadcast %mul3A_149 : f32 to vector<2048x1xf32>
      %mul3A_151 = arith.mulf %mul3A_150, %broadcast_in_dim3A_148 : vector<2048x1xf32>
      %swap3A_152 = arith.constant 6144 : index
      %swap3A_153 = arith.constant 0 : index
      %swap3A_154 = vector.load %arg5[%swap3A_152, %swap3A_153] : memref<8192x1xf32, #tpu.memory_space<vmem>>, vector<2048x1xf32>
      tpu.vector_store %arg5[%swap3A_152, %swap3A_153], %mul3A_151 {strides = array<i32>} : memref<8192x1xf32, #tpu.memory_space<vmem>>, vector<2048x1xf32>,
    } else {
    }
    %broadcast_in_dim3A = arith.constant 0x7F800000 : f32
    %broadcast_in_dim3A_6 = vector.broadcast %broadcast_in_dim3A : f32 to vector<1024xf32>
    %broadcast_in_dim3A_7 = arith.constant 0 : i32
    %broadcast_in_dim3A_8 = vector.broadcast %broadcast_in_dim3A_7 : i32 to vector<1024xi32>
    %get3A_9 = arith.constant 0 : index
    %get3A_10 = arith.constant 0 : index
    %get3A_11 = vector.load %arg2[%get3A_9, %get3A_10] : memref<8192x256xf32, #tpu.memory_space<vmem>>, vector<2048x256xf32>
    %dot_general3A = arith.constant dense<0.000000e+00> : vector<2048x1024xf32>
    %dot_general3A_12 = tpu.matmul %get3A_11, %get3A_3, %dot_general3A {dimension_numbers = #tpu.dot_dimension_numbers<[1], [0], [0], [1], [0, 0, 1, 1], [], []>, transpose_lhs_hint = false} : vector<2048x256xf32>, vector<256x1024xf32>, vector<2048x1024xf32> -> vector<2048x1024xf32>
    %get3A_13 = arith.constant 0 : index
    %get3A_14 = arith.constant 0 : index
    %get3A_15 = vector.load %arg5[%get3A_13, %get3A_14] : memref<8192x1xf32, #tpu.memory_space<vmem>>, vector<2048x1xf32>
    %sub3A = vector.broadcast %get3A_15 : vector<2048x1xf32> to vector<2048x1024xf32>
    %sub3A_16 = arith.subf %sub3A, %dot_general3A_12 : vector<2048x1024xf32>
    %reduce_min3A = arith.constant dense<0x7F800000> : vector<1024xf32>
    %reduce_min3A_17 = vector.multi_reduction <minimumf>, %sub3A_16, %reduce_min3A [0] : vector<2048x1024xf32> to vector<1024xf32>
    %argmin3A = tpu.reduce_index %sub3A_16 {axis = 0 : i32, kind = #tpu.reduction_kind<arg_min>} : vector<2048x1024xf32> -> vector<1024xi32>
    %add3A = arith.constant 0 : i32
    %add3A_18 = vector.broadcast %add3A : i32 to vector<1024xi32>
    %add3A_19 = arith.addi %argmin3A, %add3A_18 : vector<1024xi32>
    %lt3A = arith.cmpf olt, %reduce_min3A_17, %broadcast_in_dim3A_6 : vector<1024xf32>
    %select_n3A = arith.select %lt3A, %reduce_min3A_17, %broadcast_in_dim3A_6 : vector<1024xi1>, vector<1024xf32>
    %select_n3A_20 = arith.select %lt3A, %add3A_19, %broadcast_in_dim3A_8 : vector<1024xi1>, vector<1024xi32>
    %get3A_21 = arith.constant 2048 : index
    %get3A_22 = arith.constant 0 : index
    %get3A_23 = vector.load %arg2[%get3A_21, %get3A_22] : memref<8192x256xf32, #tpu.memory_space<vmem>>, vector<2048x256xf32>
    %dot_general3A_24 = arith.constant dense<0.000000e+00> : vector<2048x1024xf32>
    %dot_general3A_25 = tpu.matmul %get3A_23, %get3A_3, %dot_general3A_24 {dimension_numbers = #tpu.dot_dimension_numbers<[1], [0], [0], [1], [0, 0, 1, 1], [], []>, transpose_lhs_hint = false} : vector<2048x256xf32>, vector<256x1024xf32>, vector<2048x1024xf32> -> vector<2048x1024xf32>
    %get3A_26 = arith.constant 2048 : index
    %get3A_27 = arith.constant 0 : index
    %get3A_28 = vector.load %arg5[%get3A_26, %get3A_27] : memref<8192x1xf32, #tpu.memory_space<vmem>>, vector<2048x1xf32>
    %sub3A_29 = vector.broadcast %get3A_28 : vector<2048x1xf32> to vector<2048x1024xf32>
    %sub3A_30 = arith.subf %sub3A_29, %dot_general3A_25 : vector<2048x1024xf32>
    %reduce_min3A_31 = arith.constant dense<0x7F800000> : vector<1024xf32>
    %reduce_min3A_32 = vector.multi_reduction <minimumf>, %sub3A_30, %reduce_min3A_31 [0] : vector<2048x1024xf32> to vector<1024xf32>
    %argmin3A_33 = tpu.reduce_index %sub3A_30 {axis = 0 : i32, kind = #tpu.reduction_kind<arg_min>} : vector<2048x1024xf32> -> vector<1024xi32>
    %add3A_34 = arith.constant 2048 : i32
    %add3A_35 = vector.broadcast %add3A_34 : i32 to vector<1024xi32>
    %add3A_36 = arith.addi %argmin3A_33, %add3A_35 : vector<1024xi32>
    %lt3A_37 = arith.cmpf olt, %reduce_min3A_32, %select_n3A : vector<1024xf32>
    %select_n3A_38 = arith.select %lt3A_37, %reduce_min3A_32, %select_n3A : vector<1024xi1>, vector<1024xf32>
    %select_n3A_39 = arith.select %lt3A_37, %add3A_36, %select_n3A_20 : vector<1024xi1>, vector<1024xi32>
    %get3A_40 = arith.constant 4096 : index
    %get3A_41 = arith.constant 0 : index
    %get3A_42 = vector.load %arg2[%get3A_40, %get3A_41] : memref<8192x256xf32, #tpu.memory_space<vmem>>, vector<2048x256xf32>
    %dot_general3A_43 = arith.constant dense<0.000000e+00> : vector<2048x1024xf32>
    %dot_general3A_44 = tpu.matmul %get3A_42, %get3A_3, %dot_general3A_43 {dimension_numbers = #tpu.dot_dimension_numbers<[1], [0], [0], [1], [0, 0, 1, 1], [], []>, transpose_lhs_hint = false} : vector<2048x256xf32>, vector<256x1024xf32>, vector<2048x1024xf32> -> vector<2048x1024xf32>
    %get3A_45 = arith.constant 4096 : index
    %get3A_46 = arith.constant 0 : index
    %get3A_47 = vector.load %arg5[%get3A_45, %get3A_46] : memref<8192x1xf32, #tpu.memory_space<vmem>>, vector<2048x1xf32>
    %sub3A_48 = vector.broadcast %get3A_47 : vector<2048x1xf32> to vector<2048x1024xf32>
    %sub3A_49 = arith.subf %sub3A_48, %dot_general3A_44 : vector<2048x1024xf32>
    %reduce_min3A_50 = arith.constant dense<0x7F800000> : vector<1024xf32>
    %reduce_min3A_51 = vector.multi_reduction <minimumf>, %sub3A_49, %reduce_min3A_50 [0] : vector<2048x1024xf32> to vector<1024xf32>
    %argmin3A_52 = tpu.reduce_index %sub3A_49 {axis = 0 : i32, kind = #tpu.reduction_kind<arg_min>} : vector<2048x1024xf32> -> vector<1024xi32>
    %add3A_53 = arith.constant 4096 : i32
    %add3A_54 = vector.broadcast %add3A_53 : i32 to vector<1024xi32>
    %add3A_55 = arith.addi %argmin3A_52, %add3A_54 : vector<1024xi32>
    %lt3A_56 = arith.cmpf olt, %reduce_min3A_51, %select_n3A_38 : vector<1024xf32>
    %select_n3A_57 = arith.select %lt3A_56, %reduce_min3A_51, %select_n3A_38 : vector<1024xi1>, vector<1024xf32>
    %select_n3A_58 = arith.select %lt3A_56, %add3A_55, %select_n3A_39 : vector<1024xi1>, vector<1024xi32>
    %get3A_59 = arith.constant 6144 : index
    %get3A_60 = arith.constant 0 : index
    %get3A_61 = vector.load %arg2[%get3A_59, %get3A_60] : memref<8192x256xf32, #tpu.memory_space<vmem>>, vector<2048x256xf32>
    %dot_general3A_62 = arith.constant dense<0.000000e+00> : vector<2048x1024xf32>
    %dot_general3A_63 = tpu.matmul %get3A_61, %get3A_3, %dot_general3A_62 {dimension_numbers = #tpu.dot_dimension_numbers<[1], [0], [0], [1], [0, 0, 1, 1], [], []>, transpose_lhs_hint = false} : vector<2048x256xf32>, vector<256x1024xf32>, vector<2048x1024xf32> -> vector<2048x1024xf32>
    %get3A_64 = arith.constant 6144 : index
    %get3A_65 = arith.constant 0 : index
    %get3A_66 = vector.load %arg5[%get3A_64, %get3A_65] : memref<8192x1xf32, #tpu.memory_space<vmem>>, vector<2048x1xf32>
    %sub3A_67 = vector.broadcast %get3A_66 : vector<2048x1xf32> to vector<2048x1024xf32>
    %sub3A_68 = arith.subf %sub3A_67, %dot_general3A_63 : vector<2048x1024xf32>
    %reduce_min3A_69 = arith.constant dense<0x7F800000> : vector<1024xf32>
    %reduce_min3A_70 = vector.multi_reduction <minimumf>, %sub3A_68, %reduce_min3A_69 [0] : vector<2048x1024xf32> to vector<1024xf32>
    %argmin3A_71 = tpu.reduce_index %sub3A_68 {axis = 0 : i32, kind = #tpu.reduction_kind<arg_min>} : vector<2048x1024xf32> -> vector<1024xi32>
    %add3A_72 = arith.constant 6144 : i32
    %add3A_73 = vector.broadcast %add3A_72 : i32 to vector<1024xi32>
    %add3A_74 = arith.addi %argmin3A_71, %add3A_73 : vector<1024xi32>
    %lt3A_75 = arith.cmpf olt, %reduce_min3A_70, %select_n3A_57 : vector<1024xf32>
    %select_n3A_76 = arith.select %lt3A_75, %reduce_min3A_70, %select_n3A_57 : vector<1024xi1>, vector<1024xf32>
    %select_n3A_77 = arith.select %lt3A_75, %add3A_74, %select_n3A_58 : vector<1024xi1>, vector<1024xi32>
    %swap3A = arith.constant 0 : index
    %swap3A_78 = arith.constant 0 : index
    %swap3A_79 = arith.constant 0 : index
    %swap3A_80 = vector.load %arg3[%swap3A, %swap3A_78, %swap3A_79] : memref<1x1x1024xi32, #tpu.memory_space<vmem>>, vector<1x1x1024xi32>
    %swap3A_81 = vector.shape_cast %swap3A_80 : vector<1x1x1024xi32> to vector<1024xi32>
    %swap3A_82 = vector.shape_cast %select_n3A_77 : vector<1024xi32> to vector<1x1x1024xi32>
    tpu.vector_store %arg3[%swap3A, %swap3A_78, %swap3A_79], %swap3A_82 {strides = array<i32>} : memref<1x1x1024xi32, #tpu.memory_space<vmem>>, vector<1x1x1024xi32>,
    %mul3A = arith.mulf %get3A_3, %get3A_3 : vector<256x1024xf32>
    %reduce_sum3A = arith.constant dense<0.000000e+00> : vector<1024xf32>
    %reduce_sum3A_83 = vector.multi_reduction <add>, %mul3A, %reduce_sum3A [0] : vector<256x1024xf32> to vector<1024xf32>
    %mul3A_84 = arith.constant 2.000000e+00 : f32
    %mul3A_85 = vector.broadcast %mul3A_84 : f32 to vector<1024xf32>
    %mul3A_86 = arith.mulf %mul3A_85, %select_n3A_76 : vector<1024xf32>
    %add3A_87 = arith.addf %reduce_sum3A_83, %mul3A_86 : vector<1024xf32>
    %reduce_sum3A_88 = vector.shape_cast %add3A_87 : vector<1024xf32> to vector<1x1024xf32>
    %reduce_sum3A_89 = arith.constant dense<0.000000e+00> : vector<1xf32>
    %reduce_sum3A_90 = vector.multi_reduction <add>, %reduce_sum3A_88, %reduce_sum3A_89 [1] : vector<1x1024xf32> to vector<1xf32>
    %reduce_sum3A_91 = vector.shape_cast %reduce_sum3A_90 : vector<1xf32> to vector<1x1xf32>
    %reduce_sum3A_92 = vector.extract %reduce_sum3A_91[0, 0] : f32 from vector<1x1xf32>
    %eq3A_93 = arith.constant 0 : i32
    %eq3A_94 = arith.cmpi eq, %arg0, %eq3A_93 : i32
    %get3A_95 = arith.constant 0 : index
    %get3A_96 = arith.constant 0 : index
    %get3A_97 = memref.load %arg4[%get3A_95, %get3A_96] : memref<1x1xf32, #tpu.memory_space<smem>>
    %jit3A = arith.constant 0.000000e+00 : f32
    %select_n3A_98 = arith.select %eq3A_94, %jit3A, %get3A_97 : f32
    %add3A_99 = arith.addf %select_n3A_98, %reduce_sum3A_92 : f32
    %swap3A_100 = arith.constant 0 : index
    %swap3A_101 = arith.constant 0 : index
    %swap3A_102 = memref.load %arg4[%swap3A_100, %swap3A_101] : memref<1x1xf32, #tpu.memory_space<smem>>
    memref.store %add3A_99, %arg4[%swap3A_100, %swap3A_101] : memref<1x1xf32, #tpu.memory_space<smem>>
    return
  }
  func.func @transform_0(%arg0: i32) -> (i32, i32, i32) {
    %jit3A = arith.constant 1 : i32
    %div3A = arith.divsi %arg0, %jit3A : i32
    %sign3A = arith.constant 0 : i32
    %sign3A_0 = arith.cmpi sgt, %arg0, %sign3A : i32
    %sign3A_1 = arith.extui %sign3A_0 : i1 to i32
    %sign3A_2 = arith.constant 0 : i32
    %sign3A_3 = arith.cmpi slt, %arg0, %sign3A_2 : i32
    %sign3A_4 = arith.extui %sign3A_3 : i1 to i32
    %sign3A_5 = arith.subi %sign3A_1, %sign3A_4 : i32
    %sign3A_6 = arith.constant 0 : i32
    %sign3A_7 = arith.cmpi sgt, %jit3A, %sign3A_6 : i32
    %sign3A_8 = arith.extui %sign3A_7 : i1 to i32
    %sign3A_9 = arith.constant 0 : i32
    %sign3A_10 = arith.cmpi slt, %jit3A, %sign3A_9 : i32
    %sign3A_11 = arith.extui %sign3A_10 : i1 to i32
    %sign3A_12 = arith.subi %sign3A_8, %sign3A_11 : i32
    %ne3A = arith.cmpi ne, %sign3A_5, %sign3A_12 : i32
    %rem3A = arith.remsi %arg0, %jit3A : i32
    %ne3A_13 = arith.constant 0 : i32
    %ne3A_14 = arith.cmpi ne, %rem3A, %ne3A_13 : i32
    %and3A = arith.andi %ne3A, %ne3A_14 : i1
    %sub3A = arith.constant 1 : i32
    %sub3A_15 = arith.subi %div3A, %sub3A : i32
    %select_n3A = arith.select %and3A, %sub3A_15, %div3A : i32
    %jit3A_16 = arith.constant 1 : i32
    %eq3A = arith.constant 0 : i32
    %eq3A_17 = arith.cmpi eq, %jit3A_16, %eq3A : i32
    %jit3A_18 = arith.constant 1 : i32
    %select_n3A_19 = arith.select %eq3A_17, %jit3A_18, %jit3A_16 : i32
    %rem3A_20 = arith.remsi %arg0, %select_n3A_19 : i32
    %ne3A_21 = arith.constant 0 : i32
    %ne3A_22 = arith.cmpi ne, %rem3A_20, %ne3A_21 : i32
    %lt3A = arith.constant 0 : i32
    %lt3A_23 = arith.cmpi slt, %rem3A_20, %lt3A : i32
    %lt3A_24 = arith.constant 0 : i32
    %lt3A_25 = arith.cmpi slt, %select_n3A_19, %lt3A_24 : i32
    %ne3A_26 = arith.xori %lt3A_23, %lt3A_25 : i1
    %and3A_27 = arith.andi %ne3A_26, %ne3A_22 : i1
    %add3A = arith.addi %rem3A_20, %select_n3A_19 : i32
    %select_n3A_28 = arith.select %and3A_27, %add3A, %rem3A_20 : i32
    %c0_i32 = arith.constant 0 : i32
    %c0_i32_29 = arith.constant 0 : i32
    return %select_n3A, %c0_i32, %select_n3A_28 : i32, i32, i32
  }
  func.func @transform_1(%arg0: i32) -> (i32, i32) {
    %c0_i32 = arith.constant 0 : i32
    %c0_i32_0 = arith.constant 0 : i32
    %c0_i32_1 = arith.constant 0 : i32
    return %c0_i32, %c0_i32_0 : i32, i32
  }
  func.func @transform_2(%arg0: i32) -> (i32, i32, i32) {
    %c0_i32 = arith.constant 0 : i32
    %c0_i32_0 = arith.constant 0 : i32
    %c0_i32_1 = arith.constant 0 : i32
    return %arg0, %c0_i32, %c0_i32_0 : i32, i32, i32
  }
  func.func @transform_3(%arg0: i32) -> (i32, i32) {
    %c0_i32 = arith.constant 0 : i32
    %c0_i32_0 = arith.constant 0 : i32
    %c0_i32_1 = arith.constant 0 : i32
    return %c0_i32, %c0_i32_0 : i32, i32
  }
}

</mosaic_0001>

<sc_bundles>
// kernel: kernel.4.cloned.1.call-start
scs
__scs_entry_jumppad:
0x0: {  	(pc) =	sbr.rel $0x88, $3  }
0x1: {  	(tag) =	ssettag $0x0;
	lr =	simm.s32 $0x1  }
0x2: {  	[smem:$0x3F9F] =	sst lr;
	_ =	strace $0xD0000000  }
0x3: {  	_ = 	snop  }
0x4: {  	_ = 	snop  }
0x5: {  	_ = 	snop  }
0x6: {  	_ = 	snop  }
0x7: {  	_ = 	snop  }
__scs_overlays_trampoline_lowered:
0x8: {  	[smem:$0x3FAE] =	sst s0  }
0x9: {  	[smem:$0x3FAF] =	sst s1  }
0xa: {  	[smem:$0x3FB0] =	sst s2  }
0xb: {  	[smem:$0x3FB1] =	sst s3  }
0xc: {  	[smem:$0x3FB2] =	sst s4  }
0xd: {  	[smem:$0x3FB3] =	sst s5  }
0xe: {  	[smem:$0x3FB4] =	sst s6  }
0xf: {  	[smem:$0x3FB5] =	sst s7  }
0x10: {  	[smem:$0x3FB6] =	sst s8  }
0x11: {  	[smem:$0x3FB7] =	sst s9;
	s0 =	simm.s32 @!p0 $0x0  }
0x12: {  	s1 =	sld [smem:$0x3F9D];
	s0 =	simm.s32 @p0 $0x1  }
0x13: {  	[smem:$0x3FB8] =	sst s0;
	s0 =	simm.s32 @!p1 $0x0  }
0x14: {  	s2 =	sld [smem:$0x3F9C];
	s0 =	simm.s32 @p1 $0x1  }
0x15: {  	[smem:$0x3FB9] =	sst s0;
	s0 =	simm.s32 @!p2 $0x0  }
0x16: {  	s3 =	sld [smem:$0x3FDB];
	s0 =	simm.s32 @p2 $0x1  }
0x17: {  	s4 =	simm.s32 $0x1BF5;
	[smem:$0x3FBB] =	sst s0  }
0x18: {  	s0 =	sld [smem:$0x3F9E];
	_ =	swait.ge [sflag:s4], $0x0  }
0x19: {  	s7 =	sld [smem:$0x3F9F]  }
0x1a: {  	s8 =	sadd.s32 $0xFFFFE003, lr  }
0x1b: {  	s9 =	sadd.s32 $0xFFFFFEF7, lr;
	s5 =	simm.s32 $0xFFFFFFFF;
	p2 =	slt.u32 s8, $0xFFFFF086  }
0x1c: {  	p1 =	slt.u32 s9, $0xF7A;
	s5 =	simm.s32 @!p2 $0x0  }
0x1d: {  	s5 =	simm.s32 @p1 $0x1;
	p0 =	seq.s32 s7, s2  }
0x1e: {  	s7 =	smul.u32 @!p0 $0xF7A, s2;
	p2 =	seq.s32 @!p0 s5, $0x0  }
0x1f: {  	s9 =	smul.u32 $0xF7A, s1;
	s8 =	simm.s32 @!p0 $0x1BF5;
	p2 =	por !p2, p0  }
0x20: {  	[sflag:s8] =	ssyncset.s32 @!p0 $0xFFFFF086;
	s6 =	sadd.s32 @!p0 s3, s7;
	s7 =	simm.s32 @!p0 $0x108  }
0x21: {  	s3 =	sadd.s32 s3, s9;
	s6 =	sadd.s32 @!p0 $0x88, s6;
	s7 =	simm.s32 @p2 $0x1082  }
0x22: {  	[simem:s7], [sflag:s8] =	dma.local @!p0 [hbm:s6], $0xF7A  }
0x23: {  	s9 =	sor.u32 $0xD0000000, s2;
	s6 =	simm.s32 $0x108;
	_ =	swait.ge @!p0 [sflag:s8], $0x0  }
0x24: {  	s3 =	sadd.s32 $0x88, s3;
	s6 =	simm.s32 @!p1 $0x1082;
	[sflag:s4] =	ssyncset.s32 $0xFFFFF086  }
0x25: {  	[simem:s6], [sflag:s4] =	dma.local [hbm:s3], $0xF7A  }
0x26: {  	[smem:$0x3F9F] =	sst s1;
	(tag) =	ssettag s2;
	_ =	strace s9  }
0x27: {  	s1 =	sld [smem:$0x3FAF]  }
0x28: {  	s2 =	sld [smem:$0x3FB0]  }
0x29: {  	s4 =	sld [smem:$0x3FB2]  }
0x2a: {  	p0 =	seq.s32 s5, $0x0;
	s5 =	sld [smem:$0x3FB3]  }
0x2b: {  	s6 =	sld [smem:$0x3FB4]  }
0x2c: {  	s7 =	sld [smem:$0x3FB5]  }
0x2d: {  	s3 =	simm.s32 $0x108;
	s8 =	sld [smem:$0x3FB6]  }
0x2e: {  	s3 =	simm.s32 @!p0 $0x1082;
	s9 =	sld [smem:$0x3FB7]  }
0x2f: {  	lr =	sadd.s32 s0, s3;
	s0 =	sld [smem:$0x3FAE]  }
0x30: {  	s3 =	sld [smem:$0x3FB1]  }
0x31: {  	[smem:$0x3FBA] =	sst s10  }
0x32: {  	s10 =	sld [smem:$0x3FB8];
	_ =	sdelay $0x3  }
0x33: {  	p0 =	seq.s32 s10, $0x1;
	s10 =	sld [smem:$0x3FBA];
	_ =	sdelay $0x3  }
0x34: {  	[smem:$0x3FBA] =	sst s10  }
0x35: {  	s10 =	sld [smem:$0x3FB9];
	_ =	sdelay $0x3  }
0x36: {  	p1 =	seq.s32 s10, $0x1;
	s10 =	sld [smem:$0x3FBA];
	_ =	sdelay $0x3  }
0x37: {  	[smem:$0x3FBA] =	sst s10  }
0x38: {  	s10 =	sld [smem:$0x3FBB]  }
0x39: {  	_ = 	snop;
	(pc) =	sbr.ind lr, $3  }
0x3a: {  	_ = 	snop  }
0x3b: {  	_ = 	snop  }
0x3c: {  	p2 =	seq.s32 s10, $0x1;
	s10 =	sld [smem:$0x3FBA]  }
0x3d: {  	_ =	shalt  }
0x3e: {  	_ =	shalt  }
0x3f: {  	_ =	shalt  }
0x40: {  	_ =	shalt  }
0x41: {  	_ =	shalt  }
0x42: {  	_ =	shalt  }
0x43: {  	_ =	shalt  }
0x44: {  	_ =	shalt  }
0x45: {  	_ =	shalt  }
0x46: {  	_ =	shalt  }
0x47: {  	_ =	shalt  }
0x48: {  	_ =	shalt  }
0x49: {  	_ =	shalt  }
0x4a: {  	_ =	shalt  }
0x4b: {  	_ =	shalt  }
0x4c: {  	_ =	shalt  }
0x4d: {  	_ =	shalt  }
0x4e: {  	_ =	shalt  }
0x4f: {  	_ =	shalt  }
0x50: {  	_ =	shalt  }
0x51: {  	_ =	shalt  }
0x52: {  	_ =	shalt  }
0x53: {  	_ =	shalt  }
0x54: {  	_ =	shalt  }
0x55: {  	_ =	shalt  }
0x56: {  	_ =	shalt  }
0x57: {  	_ =	shalt  }
0x58: {  	_ =	shalt  }
0x59: {  	_ =	shalt  }
0x5a: {  	_ =	shalt  }
0x5b: {  	_ =	shalt  }
0x5c: {  	_ =	shalt  }
0x5d: {  	_ =	shalt  }
0x5e: {  	_ =	shalt  }
0x5f: {  	_ =	shalt  }
0x60: {  	_ =	shalt  }
0x61: {  	_ =	shalt  }
0x62: {  	_ =	shalt  }
0x63: {  	_ =	shalt  }
0x64: {  	_ =	shalt  }
0x65: {  	_ =	shalt  }
0x66: {  	_ =	shalt  }
0x67: {  	_ =	shalt  }
0x68: {  	_ =	shalt  }
0x69: {  	_ =	shalt  }
0x6a: {  	_ =	shalt  }
0x6b: {  	_ =	shalt  }
0x6c: {  	_ =	shalt  }
0x6d: {  	_ =	shalt  }
0x6e: {  	_ =	shalt  }
0x6f: {  	_ =	shalt  }
0x70: {  	_ =	shalt  }
0x71: {  	_ =	shalt  }
0x72: {  	_ =	shalt  }
0x73: {  	_ =	shalt  }
0x74: {  	_ =	shalt  }
0x75: {  	_ =	shalt  }
0x76: {  	_ =	shalt  }
0x77: {  	_ =	shalt  }
0x78: {  	_ =	shalt  }
0x79: {  	_ =	shalt  }
0x7a: {  	_ =	shalt  }
0x7b: {  	_ =	shalt  }
0x7c: {  	_ =	shalt  }
0x7d: {  	_ =	shalt  }
0x7e: {  	_ =	shalt  }
0x7f: {  	_ =	shalt  }
0x80: {  	_ =	shalt  }
0x81: {  	_ =	shalt  }
0x82: {  	_ =	shalt  }
0x83: {  	_ =	shalt  }
0x84: {  	_ =	shalt  }
0x85: {  	_ =	shalt  }
0x86: {  	_ =	shalt  }
0x87: {  	_ =	shalt  }
.Lfunc_end0:
.L_simem_size_0:
called_computation_lowered:
.L_overlay_start_0:
0x88: {  	s2 =	sld [smem:$0x3FD9]  }
0x89: {  	s3 =	sld [smem:$0x3FFE];
	_ =	sdelay $0x1  }
0x8a: {  	s1 =	srdreg.scid  }
0x8b: {  	s0 =	sand.u32 $0x1, s1  }
0x8c: {  	s14 =	sshll.u32 s0, $0xA;
	s2 =	sadd.s32 s3, s2  }
0x8d: {  	s2 =	sadd.s32 s2, s14  }
0x8e: {  	[smem:$0x3FC6] =	sst s2  }
0x8f: {  	_ = 	snop  }
0x90: {  	s2 =	sld [smem:$0x3FD0];
	_ =	sdelay $0x2  }
0x91: {  	s4 =	simm.s32 $0xA;
	s5 =	simm.s32 $0x10;
	s15 =	sld [smem:$0x3FC8]  }
0x92: {  	[smem:s5], [sflag:s4] =	dma.local [hbm:s2], $0x1  }
0x93: {  	_ =	swait.eq [sflag:s4], $0x1  }
0x94: {  	[sflag:s4] =	ssyncset.done $0x0  }
0x95: {  	[sflag:s4] =	ssyncadd.s32 $0xFFFFFFFF  }
0x96: {  	s16 =	sld [smem:$0x10];
	(tm) =	ssettm $0x1  }
0x97: {  	s17 =	sld [smem:$0x3FFB];
	_ =	sdelay $0x3  }
0x98: {  	_ =	strace s17  }
0x99: {  	s4 =	sld [smem:$0x3FFC];
	_ =	sdelay $0x3  }
0x9a: {  	_ =	strace s4  }
0x9b: {  	s4 =	sld [smem:$0x3FFD];
	_ =	sdelay $0x3  }
0x9c: {  	_ =	strace s4  }
0x9d: {  	_ =	strace $0x8FFFFFFF  }
0x9e: {  	s18 =	sld [smem:$0x3FDB];
	_ =	sdelay $0x1  }
0x9f: {  	s19 =	simm.s32 $_scs_section_size  }
0xa0: {  	s6 =	simm.s32 $_size__tile_overlayer_lowered;
	s7 =	simm.s32 $_tile_overlayer_lowered  }
0xa1: {  	s22 =	simm.s32 $0x1BFF;
	s21 =	sshll.u32 s7, $0x1;
	s4 =	sadd.s32 s19, s18  }
0xa2: {  	s8 =	simm.s32 $0x0;
	s20 =	sshll.u32 s6, $0x1;
	s6 =	sadd.s32 s21, s4  }
0xa3: {  	[timem:s8], [sflag:s22] =	dma.local [hbm:s6], s20  }
0xa4: {  	_ =	swait.ge [sflag:s22], s20  }
0xa5: {  	s5 =	ssub.s32 $0x0, s20;
	[sflag:s22] =	ssyncset.done $0x0  }
0xa6: {  	[sflag:s22] =	ssyncadd.s32 s5;
	_ =	sdelay $0x1  }
0xa7: {  	s23 =	simm.s32 $0x1B8B  }
0xa8: {  	_ =	swait.ge [sflag:s23], $0x1  }
0xa9: {  	[sflag:s23] =	ssyncset.done $0x0  }
0xaa: {  	s25 =	simm.s32 $0x1B8E;
	s24 =	sld [smem:$0x3FFE];
	[sflag:s23] =	ssyncadd.s32 $0xFFFFFFFF  }
0xab: {  	s26 =	simm.s32 $execute0_lowered;
	[smem:$0x3FD2] =	sst s25  }
0xac: {  	s6 =	sshll.u32 s26, $0x1;
	_ =	strace $0x80000046;
	[dreg:$0x1] =	wrdreg $0xFFFFFFFF  }
0xad: {  	s28 =	simm.s32 $_size_execute0_lowered;
	s4 =	sadd.s32 s4, s6;
	[dreg:$0x0] =	wrdreg $0x0  }
0xae: {  	s6 =	sshll.u32 s28, $0x1;
	[dreg:$0x2] =	wrdreg s4  }
0xaf: {  	[dreg:$0x3] =	wrdreg s6  }
0xb0: {  	[dreg:$0x4] =	wrdreg $0xC0  }
0xb1: {  	_ =	task [dreg:s8], $0x5FFFF  }
0xb2: {  	[dreg:$0x1] =	wrdreg $0xFFFFFFFF  }
0xb3: {  	[dreg:$0x0] =	wrdreg $0x60  }
0xb4: {  	[dreg:$0x2] =	wrdreg s15  }
0xb5: {  	[dreg:$0x3] =	wrdreg s24  }
0xb6: {  	[dreg:$0x4] =	wrdreg s16  }
0xb7: {  	[dreg:$0x5] =	wrdreg $0x9  }
0xb8: {  	_ =	task.clear_ibuf [dreg:s8], $0x6FFFF;
	_ =	strace $0x90000046  }
0xb9: {  	s29 =	simm.s32 $0x9;
	_ =	strace $0x80000048  }
0xba: {  	_ =	swait.ge [sflag:s29], $0x1  }
0xbb: {  	[sflag:s29] =	ssyncadd.s32 $0xFFFFFFFF  }
0xbc: {  	_ =	strace $0x90000048  }
0xbd: {  	_ =	sfence  }
0xbe: {  	s30 =	sld [smem:$0x0];
	_ =	sdelay $0x2  }
0xbf: {  	s31 =	sshll.u32 s1, $0xD;
	s1 =	sshrl.u32 s1, $0x2  }
0xc0: {  	s3 =	sand.u32 $0x4000, s31;
	s1 =	sadd.s32 s1, s30  }
0xc1: {  	s0 =	sor.u32 s3, s0;
	s1 =	sshll.u32 s1, $0x11  }
0xc2: {  	s0 =	sor.u32 s1, s0  }
0xc3: {  	s0 =	sadd.s32 $0x8F2B, s0  }
0xc4: {  	[sflag:s0] =	ssyncadd.remote.s32 $0x1  }
0xc5: {  	_ =	sfence.sel $0xFFFF  }
0xc6: {  	[dreg:$0x0] =	wrdreg $0xFFFFFFFF;
	(pc) =	sbr.abs _section_cstart, $3  }
0xc7: {  	[dreg:$0x1] =	wrdreg $0xFFFFFFFF  }
0xc8: {  	_ =	task.clear_ibuf [dreg:s8], $0x2FFFF;
	_ =	strace $0x9FFFFFFF  }
0xc9: {  	(tm) =	ssettm $0x7FFFFFFF  }
tec
execute0_lowered:
.L_overlay_start_1:
0x0: {  	(tag) =	ssettag $0x1  }
0x1: {  	s1 =	rddreg [dreg:$0x0];
	s2 =	srdreg.scid  }
0x2: {  	s0 =	stileid.u32;
	s4 =	rddreg [dreg:$0x1]  }
0x3: {  	s5 =	rddreg [dreg:$0x2];
	s2 =	sand.u32 $0x1, s2;
	s3 =	sshll.u32 s0, $0x1  }
0x4: {  	s14 =	simm.s32 $0xA00;
	s6 =	sor.u32 s2, s3;
	s3 =	simm.s32 $0x0  }
0x5: {  	s15 =	simm.s32 $0x1200;
	s16 =	simm.s32 $0x1A00;
	[smem:$0x7FF] =	sst s3  }
0x6: {  	s17 =	simm.s32 $0x2200;
	_ =	strace $0x80000047;
	[dreg:$0x8] =	wrdreg s14  }
0x7: {  	s18 =	simm.s32 $0x2A00;
	s19 =	simm.s32 $0x3200;
	[dreg:$0x9] =	wrdreg s15  }
0x8: {  	s21 =	simm.s32 $0x3A00;
	s22 =	simm.s32 $0x4A00;
	[dreg:$0xa] =	wrdreg s16  }
0x9: {  	s23 =	simm.s32 $0x5200;
	s24 =	simm.s32 $0x5A00;
	[dreg:$0xb] =	wrdreg s17  }
0xa: {  	s25 =	simm.s32 $0x6200;
	s8 =	simm.s32 $0x4200;
	[dreg:$0xc] =	wrdreg s18  }
0xb: {  	s26 =	simm.s32 $0x6A00;
	s10 =	simm.s32 $0x7A00;
	[dreg:$0xd] =	wrdreg s19  }
0xc: {  	s11 =	simm.s32 $0x8200;
	s28 =	simm.s32 $0x1;
	[dreg:$0xe] =	wrdreg s21  }
0xd: {  	s29 =	simm.s32 $0x2;
	s30 =	simm.s32 $0x3;
	[dreg:$0xf] =	wrdreg s22  }
0xe: {  	s31 =	simm.s32 $0x4;
	s2 =	ssub.s32 $0x2, s2;
	[dreg:$0x10] =	wrdreg s23  }
0xf: {  	s7 =	sshll.u32 s6, $0x6;
	s6 =	sshll.u32 s6, $0xD;
	[dreg:$0x11] =	wrdreg s24  }
0x10: {  	s20 =	sshrl.u32 s2, $0x1;
	s4 =	sadd.s32 s7, s4;
	[dreg:$0x12] =	wrdreg s25  }
0x11: {  	s2 =	ssub.s32 s2, s20;
	[dreg:$0x13] =	wrdreg s26;
	s14 =	simm.s32 $0x9A00  }
0x12: {  	s15 =	simm.s32 $0xA200;
	s16 =	simm.s32 $0xAA00;
	s17 =	simm.s32 $0xB200  }
0x13: {  	s18 =	simm.s32 $0xBA00;
	s19 =	simm.s32 $0xC200;
	s20 =	simm.s32 $0xCA00  }
0x14: {  	s21 =	simm.s32 $0xD200;
	s22 =	simm.s32 $0xDA00;
	s23 =	simm.s32 $0xE200  }
0x15: {  	s24 =	simm.s32 $0xEA00;
	s7 =	sadd.s32 $0x400, s4;
	s4 =	sadd.s32 s5, s6  }
0x16: {  	s25 =	simm.s32 $0xF200;
	[dreg:$0x4] =	wrdreg s7;
	s5 =	sadd.s32 $0x800, s4  }
0x17: {  	s26 =	simm.s32 $0xFA00;
	s12 =	sadd.s32 $0x1000, s4;
	[dreg:$0x5] =	wrdreg s5  }
0x18: {  	v2 =	vlaneseq.u32;
	s6 =	simm.s32 $0x6;
	s13 =	sadd.s32 $0x1800, s4;
	[dreg:$0x6] =	wrdreg s12  }
0x19: {  	vm0 =	vmmov $0xffff;
	v1 =	vshrl.u32 v2, $0x3;
	s7 =	simm.s32 $0x200;
	[dreg:$0x7] =	wrdreg s13;
	s5 =	smax.u32 s2, $0x1  }
0x1a: {  	v0 =	vand.u32 $0x7, v2;
	v2 =	vor.u32 $0x8, v2;
	v1 =	vmul.u32 $0x8, v1;
	s12 =	simm.s32 $0x8A00;
	s13 =	simm.s32 $0x9200;
	s2 =	simm.s32 $0x5  }
.LBB2_1:
0x1b: {  	s0 =	rddreg [dreg:$0x4]  }
0x1c: {  	[tilespmem:s3], [sflag:$0x6] =	stream.linear.gather [hbm4b:s0+s3], $0x200, $0x38;
	[tilespmem:$0x10200] =	vst v63  }
0x1d: {  	_ =	swait.ge [sflag:s6], $0x200  }
0x1e: {  	[sflag:s6] =	ssyncset.done $0x0  }
0x1f: {  	[sflag:s6] =	ssyncadd.s32 $0xFFFFFE00  }
0x20: {  	v3 =	vld [tilespmem:$0x0];
	_ =	sdelay $0x4  }
0x21: {  	v4 =	vshll.u32 v3, $0x1  }
0x22: {  	v3 =	vand.u32 $0x7, v3;
	v4 =	vand.u32 $0xFFFFFFF0, v4  }
0x23: {  	v3 =	vor.u32 v3, v4  }
0x24: {  	v4 =	vperm.xlane v3, v0;
	_ =	sdelay $0x1  }
0x25: {  	v3 =	vperm.xlane v3, v2;
	v4 =	vadd.s32 v1, v4;
	_ =	sdelay $0x1  }
0x26: {  	v3 =	vadd.s32 v1, v3;
	_ =	sdelay $0x2  }
0x27: {  	[tilespmem:s7], [sflag:$0x1] =	stream.indirect_vreg.gather [hbm4b:s1+s3], $0x80, v4, vm0, $0xb8;
	[tilespmem:$0x10200] =	vst v63  }
0x28: {  	s9 =	rddreg [dreg:$0x8]  }
0x29: {  	[tilespmem:s9], [sflag:$0x1] =	stream.indirect_vreg.gather [hbm4b:s1+s3], $0x80, v3, vm0, $0xb8;
	[tilespmem:$0x10200] =	vst v63  }
0x2a: {  	v3 =	vld [tilespmem:$0x10];
	_ =	sdelay $0x4  }
0x2b: {  	v49 =	vshll.u32 v3, $0x1  }
0x2c: {  	v3 =	vand.u32 $0x7, v3;
	v4 =	vand.u32 $0xFFFFFFF0, v49  }
0x2d: {  	v3 =	vor.u32 v3, v4  }
0x2e: {  	v4 =	vperm.xlane v3, v0;
	_ =	sdelay $0x1  }
0x2f: {  	v3 =	vperm.xlane v3, v2;
	v4 =	vadd.s32 v1, v4;
	_ =	sdelay $0x1  }
0x30: {  	v3 =	vadd.s32 v1, v3;
	_ =	sdelay $0x1  }
0x31: {  	s0 =	rddreg [dreg:$0x9]  }
0x32: {  	[tilespmem:s0], [sflag:$0x1] =	stream.indirect_vreg.gather [hbm4b:s1+s3], $0x80, v4, vm0, $0xb8;
	[tilespmem:$0x10200] =	vst v63  }
0x33: {  	s9 =	rddreg [dreg:$0xa]  }
0x34: {  	[tilespmem:s9], [sflag:$0x1] =	stream.indirect_vreg.gather [hbm4b:s1+s3], $0x80, v3, vm0, $0xb8;
	[tilespmem:$0x10200] =	vst v63  }
0x35: {  	v3 =	vld [tilespmem:$0x20];
	_ =	sdelay $0x4  }
0x36: {  	v50 =	vshll.u32 v3, $0x1  }
0x37: {  	v3 =	vand.u32 $0x7, v3;
	v4 =	vand.u32 $0xFFFFFFF0, v50  }
0x38: {  	v3 =	vor.u32 v3, v4  }
0x39: {  	v4 =	vperm.xlane v3, v0;
	_ =	sdelay $0x1  }
0x3a: {  	v3 =	vperm.xlane v3, v2;
	v4 =	vadd.s32 v1, v4;
	_ =	sdelay $0x1  }
0x3b: {  	v3 =	vadd.s32 v1, v3;
	_ =	sdelay $0x1  }
0x3c: {  	s0 =	rddreg [dreg:$0xb]  }
0x3d: {  	[tilespmem:s0], [sflag:$0x1] =	stream.indirect_vreg.gather [hbm4b:s1+s3], $0x80, v4, vm0, $0xb8;
	[tilespmem:$0x10200] =	vst v63  }
0x3e: {  	s9 =	rddreg [dreg:$0xc]  }
0x3f: {  	[tilespmem:s9], [sflag:$0x1] =	stream.indirect_vreg.gather [hbm4b:s1+s3], $0x80, v3, vm0, $0xb8;
	[tilespmem:$0x10200] =	vst v63  }
0x40: {  	v3 =	vld [tilespmem:$0x30];
	_ =	sdelay $0x4  }
0x41: {  	v51 =	vshll.u32 v3, $0x1  }
0x42: {  	v3 =	vand.u32 $0x7, v3;
	v4 =	vand.u32 $0xFFFFFFF0, v51  }
0x43: {  	v3 =	vor.u32 v3, v4  }
0x44: {  	v4 =	vperm.xlane v3, v0;
	_ =	sdelay $0x1  }
0x45: {  	v3 =	vperm.xlane v3, v2;
	v4 =	vadd.s32 v1, v4;
	_ =	sdelay $0x1  }
0x46: {  	v3 =	vadd.s32 v1, v3;
	_ =	sdelay $0x1  }
0x47: {  	s0 =	rddreg [dreg:$0xd]  }
0x48: {  	[tilespmem:s0], [sflag:$0x1] =	stream.indirect_vreg.gather [hbm4b:s1+s3], $0x80, v4, vm0, $0xb8;
	[tilespmem:$0x10200] =	vst v63  }
0x49: {  	s9 =	rddreg [dreg:$0xe]  }
0x4a: {  	[tilespmem:s9], [sflag:$0x1] =	stream.indirect_vreg.gather [hbm4b:s1+s3], $0x80, v3, vm0, $0xb8;
	[tilespmem:$0x10200] =	vst v63  }
0x4b: {  	v3 =	vld [tilespmem:$0x80];
	_ =	sdelay $0x4  }
0x4c: {  	v52 =	vshll.u32 v3, $0x1  }
0x4d: {  	v3 =	vand.u32 $0x7, v3;
	v4 =	vand.u32 $0xFFFFFFF0, v52  }
0x4e: {  	v3 =	vor.u32 v3, v4  }
0x4f: {  	v4 =	vperm.xlane v3, v0;
	_ =	sdelay $0x1  }
0x50: {  	v3 =	vperm.xlane v3, v2;
	v4 =	vadd.s32 v1, v4;
	_ =	sdelay $0x1  }
0x51: {  	v3 =	vadd.s32 v1, v3;
	_ =	sdelay $0x2  }
0x52: {  	[tilespmem:s8], [sflag:$0x2] =	stream.indirect_vreg.gather [hbm4b:s1+s3], $0x80, v4, vm0, $0xb8;
	[tilespmem:$0x10200] =	vst v63  }
0x53: {  	s9 =	rddreg [dreg:$0xf]  }
0x54: {  	[tilespmem:s9], [sflag:$0x2] =	stream.indirect_vreg.gather [hbm4b:s1+s3], $0x80, v3, vm0, $0xb8;
	[tilespmem:$0x10200] =	vst v63  }
0x55: {  	v3 =	vld [tilespmem:$0x90];
	_ =	sdelay $0x4  }
0x56: {  	v53 =	vshll.u32 v3, $0x1  }
0x57: {  	v3 =	vand.u32 $0x7, v3;
	v4 =	vand.u32 $0xFFFFFFF0, v53  }
0x58: {  	v3 =	vor.u32 v3, v4  }
0x59: {  	v4 =	vperm.xlane v3, v0;
	_ =	sdelay $0x1  }
0x5a: {  	v3 =	vperm.xlane v3, v2;
	v4 =	vadd.s32 v1, v4;
	_ =	sdelay $0x1  }
0x5b: {  	v3 =	vadd.s32 v1, v3;
	_ =	sdelay $0x1  }
0x5c: {  	s0 =	rddreg [dreg:$0x10]  }
0x5d: {  	[tilespmem:s0], [sflag:$0x2] =	stream.indirect_vreg.gather [hbm4b:s1+s3], $0x80, v4, vm0, $0xb8;
	[tilespmem:$0x10200] =	vst v63  }
0x5e: {  	s9 =	rddreg [dreg:$0x11]  }
0x5f: {  	[tilespmem:s9], [sflag:$0x2] =	stream.indirect_vreg.gather [hbm4b:s1+s3], $0x80, v3, vm0, $0xb8;
	[tilespmem:$0x10200] =	vst v63  }
0x60: {  	v3 =	vld [tilespmem:$0xA0];
	_ =	sdelay $0x4  }
0x61: {  	v54 =	vshll.u32 v3, $0x1  }
0x62: {  	v3 =	vand.u32 $0x7, v3;
	v4 =	vand.u32 $0xFFFFFFF0, v54  }
0x63: {  	v3 =	vor.u32 v3, v4  }
0x64: {  	v4 =	vperm.xlane v3, v0;
	_ =	sdelay $0x1  }
0x65: {  	v3 =	vperm.xlane v3, v2;
	v4 =	vadd.s32 v1, v4;
	_ =	sdelay $0x1  }
0x66: {  	v3 =	vadd.s32 v1, v3;
	_ =	sdelay $0x1  }
0x67: {  	s0 =	rddreg [dreg:$0x12]  }
0x68: {  	[tilespmem:s0], [sflag:$0x2] =	stream.indirect_vreg.gather [hbm4b:s1+s3], $0x80, v4, vm0, $0xb8;
	[tilespmem:$0x10200] =	vst v63  }
0x69: {  	s9 =	rddreg [dreg:$0x13]  }
0x6a: {  	[tilespmem:s9], [sflag:$0x2] =	stream.indirect_vreg.gather [hbm4b:s1+s3], $0x80, v3, vm0, $0xb8;
	[tilespmem:$0x10200] =	vst v63  }
0x6b: {  	v3 =	vld [tilespmem:$0xB0];
	_ =	sdelay $0x4  }
0x6c: {  	v55 =	vshll.u32 v3, $0x1  }
0x6d: {  	v3 =	vand.u32 $0x7, v3;
	v4 =	vand.u32 $0xFFFFFFF0, v55  }
0x6e: {  	v3 =	vor.u32 v3, v4  }
0x6f: {  	v4 =	vperm.xlane v3, v0;
	_ =	sdelay $0x1  }
0x70: {  	v3 =	vperm.xlane v3, v2;
	v4 =	vadd.s32 v1, v4;
	_ =	sdelay $0x1  }
0x71: {  	v3 =	vadd.s32 v1, v3;
	_ =	sdelay $0x1  }
0x72: {  	s9 =	simm.s32 $0x7200  }
0x73: {  	[tilespmem:s9], [sflag:$0x2] =	stream.indirect_vreg.gather [hbm4b:s1+s3], $0x80, v4, vm0, $0xb8;
	[tilespmem:$0x10200] =	vst v63  }
0x74: {  	_ = 	snop  }
0x75: {  	[tilespmem:s10], [sflag:$0x2] =	stream.indirect_vreg.gather [hbm4b:s1+s3], $0x80, v3, vm0, $0xb8;
	[tilespmem:$0x10200] =	vst v63  }
0x76: {  	v3 =	vld [tilespmem:$0x100];
	_ =	sdelay $0x4  }
0x77: {  	v56 =	vshll.u32 v3, $0x1  }
0x78: {  	v3 =	vand.u32 $0x7, v3;
	v4 =	vand.u32 $0xFFFFFFF0, v56  }
0x79: {  	v3 =	vor.u32 v3, v4  }
0x7a: {  	v4 =	vperm.xlane v3, v0;
	_ =	sdelay $0x1  }
0x7b: {  	v3 =	vperm.xlane v3, v2;
	v4 =	vadd.s32 v1, v4;
	_ =	sdelay $0x1  }
0x7c: {  	v3 =	vadd.s32 v1, v3;
	_ =	sdelay $0x2  }
0x7d: {  	[tilespmem:s11], [sflag:$0x3] =	stream.indirect_vreg.gather [hbm4b:s1+s3], $0x80, v4, vm0, $0xb8;
	[tilespmem:$0x10200] =	vst v63  }
0x7e: {  	_ = 	snop  }
0x7f: {  	[tilespmem:s12], [sflag:$0x3] =	stream.indirect_vreg.gather [hbm4b:s1+s3], $0x80, v3, vm0, $0xb8;
	[tilespmem:$0x10200] =	vst v63  }
0x80: {  	v3 =	vld [tilespmem:$0x110];
	_ =	sdelay $0x4  }
0x81: {  	v57 =	vshll.u32 v3, $0x1  }
0x82: {  	v3 =	vand.u32 $0x7, v3;
	v4 =	vand.u32 $0xFFFFFFF0, v57  }
0x83: {  	v3 =	vor.u32 v3, v4  }
0x84: {  	v4 =	vperm.xlane v3, v0;
	_ =	sdelay $0x1  }
0x85: {  	v3 =	vperm.xlane v3, v2;
	v4 =	vadd.s32 v1, v4;
	_ =	sdelay $0x1  }
0x86: {  	v3 =	vadd.s32 v1, v3;
	_ =	sdelay $0x2  }
0x87: {  	[tilespmem:s13], [sflag:$0x3] =	stream.indirect_vreg.gather [hbm4b:s1+s3], $0x80, v4, vm0, $0xb8;
	[tilespmem:$0x10200] =	vst v63  }
0x88: {  	_ = 	snop  }
0x89: {  	[tilespmem:s14], [sflag:$0x3] =	stream.indirect_vreg.gather [hbm4b:s1+s3], $0x80, v3, vm0, $0xb8;
	[tilespmem:$0x10200] =	vst v63  }
0x8a: {  	v3 =	vld [tilespmem:$0x120];
	_ =	sdelay $0x4  }
0x8b: {  	v58 =	vshll.u32 v3, $0x1  }
0x8c: {  	v3 =	vand.u32 $0x7, v3;
	v4 =	vand.u32 $0xFFFFFFF0, v58  }
0x8d: {  	v3 =	vor.u32 v3, v4  }
0x8e: {  	v4 =	vperm.xlane v3, v0;
	_ =	sdelay $0x1  }
0x8f: {  	v3 =	vperm.xlane v3, v2;
	v4 =	vadd.s32 v1, v4;
	_ =	sdelay $0x1  }
0x90: {  	v3 =	vadd.s32 v1, v3;
	_ =	sdelay $0x2  }
0x91: {  	[tilespmem:s15], [sflag:$0x3] =	stream.indirect_vreg.gather [hbm4b:s1+s3], $0x80, v4, vm0, $0xb8;
	[tilespmem:$0x10200] =	vst v63  }
0x92: {  	_ = 	snop  }
0x93: {  	[tilespmem:s16], [sflag:$0x3] =	stream.indirect_vreg.gather [hbm4b:s1+s3], $0x80, v3, vm0, $0xb8;
	[tilespmem:$0x10200] =	vst v63  }
0x94: {  	v3 =	vld [tilespmem:$0x130];
	_ =	sdelay $0x4  }
0x95: {  	v59 =	vshll.u32 v3, $0x1  }
0x96: {  	v3 =	vand.u32 $0x7, v3;
	v4 =	vand.u32 $0xFFFFFFF0, v59  }
0x97: {  	v3 =	vor.u32 v3, v4  }
0x98: {  	v4 =	vperm.xlane v3, v0;
	_ =	sdelay $0x1  }
0x99: {  	v3 =	vperm.xlane v3, v2;
	v4 =	vadd.s32 v1, v4;
	_ =	sdelay $0x1  }
0x9a: {  	v3 =	vadd.s32 v1, v3;
	_ =	sdelay $0x2  }
0x9b: {  	[tilespmem:s17], [sflag:$0x3] =	stream.indirect_vreg.gather [hbm4b:s1+s3], $0x80, v4, vm0, $0xb8;
	[tilespmem:$0x10200] =	vst v63  }
0x9c: {  	_ = 	snop  }
0x9d: {  	[tilespmem:s18], [sflag:$0x3] =	stream.indirect_vreg.gather [hbm4b:s1+s3], $0x80, v3, vm0, $0xb8;
	[tilespmem:$0x10200] =	vst v63  }
0x9e: {  	v3 =	vld [tilespmem:$0x180];
	_ =	sdelay $0x4  }
0x9f: {  	v60 =	vshll.u32 v3, $0x1  }
0xa0: {  	v3 =	vand.u32 $0x7, v3;
	v4 =	vand.u32 $0xFFFFFFF0, v60  }
0xa1: {  	v3 =	vor.u32 v3, v4  }
0xa2: {  	v4 =	vperm.xlane v3, v0;
	_ =	sdelay $0x1  }
0xa3: {  	v3 =	vperm.xlane v3, v2;
	v4 =	vadd.s32 v1, v4;
	_ =	sdelay $0x1  }
0xa4: {  	v3 =	vadd.s32 v1, v3;
	_ =	sdelay $0x2  }
0xa5: {  	[tilespmem:s19], [sflag:$0x4] =	stream.indirect_vreg.gather [hbm4b:s1+s3], $0x80, v4, vm0, $0xb8;
	[tilespmem:$0x10200] =	vst v63  }
0xa6: {  	_ = 	snop  }
0xa7: {  	[tilespmem:s20], [sflag:$0x4] =	stream.indirect_vreg.gather [hbm4b:s1+s3], $0x80, v3, vm0, $0xb8;
	[tilespmem:$0x10200] =	vst v63  }
0xa8: {  	v3 =	vld [tilespmem:$0x190];
	_ =	sdelay $0x4  }
0xa9: {  	v61 =	vshll.u32 v3, $0x1  }
0xaa: {  	v3 =	vand.u32 $0x7, v3;
	v4 =	vand.u32 $0xFFFFFFF0, v61  }
0xab: {  	v3 =	vor.u32 v3, v4  }
0xac: {  	v4 =	vperm.xlane v3, v0;
	_ =	sdelay $0x1  }
0xad: {  	v3 =	vperm.xlane v3, v2;
	v4 =	vadd.s32 v1, v4;
	_ =	sdelay $0x1  }
0xae: {  	v3 =	vadd.s32 v1, v3;
	_ =	sdelay $0x2  }
0xaf: {  	[tilespmem:s21], [sflag:$0x4] =	stream.indirect_vreg.gather [hbm4b:s1+s3], $0x80, v4, vm0, $0xb8;
	[tilespmem:$0x10200] =	vst v63  }
0xb0: {  	_ = 	snop  }
0xb1: {  	[tilespmem:s22], [sflag:$0x4] =	stream.indirect_vreg.gather [hbm4b:s1+s3], $0x80, v3, vm0, $0xb8;
	[tilespmem:$0x10200] =	vst v63  }
0xb2: {  	v3 =	vld [tilespmem:$0x1A0];
	_ =	sdelay $0x4  }
0xb3: {  	v62 =	vshll.u32 v3, $0x1  }
0xb4: {  	v3 =	vand.u32 $0x7, v3;
	v4 =	vand.u32 $0xFFFFFFF0, v62  }
0xb5: {  	v3 =	vor.u32 v3, v4  }
0xb6: {  	v4 =	vperm.xlane v3, v0;
	_ =	sdelay $0x1  }
0xb7: {  	v3 =	vperm.xlane v3, v2;
	v4 =	vadd.s32 v1, v4;
	_ =	sdelay $0x1  }
0xb8: {  	v3 =	vadd.s32 v1, v3;
	_ =	sdelay $0x2  }
0xb9: {  	[tilespmem:s23], [sflag:$0x4] =	stream.indirect_vreg.gather [hbm4b:s1+s3], $0x80, v4, vm0, $0xb8;
	[tilespmem:$0x10200] =	vst v63  }
0xba: {  	_ = 	snop  }
0xbb: {  	[tilespmem:s24], [sflag:$0x4] =	stream.indirect_vreg.gather [hbm4b:s1+s3], $0x80, v3, vm0, $0xb8;
	[tilespmem:$0x10200] =	vst v63  }
0xbc: {  	v3 =	vld [tilespmem:$0x1B0];
	_ =	sdelay $0x4  }
0xbd: {  	v63 =	vshll.u32 v3, $0x1  }
0xbe: {  	v3 =	vand.u32 $0x7, v3;
	v4 =	vand.u32 $0xFFFFFFF0, v63  }
0xbf: {  	v3 =	vor.u32 v3, v4  }
0xc0: {  	v4 =	vperm.xlane v3, v0;
	_ =	sdelay $0x1  }
0xc1: {  	v3 =	vperm.xlane v3, v2;
	v4 =	vadd.s32 v1, v4;
	_ =	sdelay $0x1  }
0xc2: {  	v3 =	vadd.s32 v1, v3;
	_ =	sdelay $0x2  }
0xc3: {  	[tilespmem:s25], [sflag:$0x4] =	stream.indirect_vreg.gather [hbm4b:s1+s3], $0x80, v4, vm0, $0xb8;
	[tilespmem:$0x10200] =	vst v63  }
0xc4: {  	_ = 	snop  }
0xc5: {  	[tilespmem:s26], [sflag:$0x4] =	stream.indirect_vreg.gather [hbm4b:s1+s3], $0x80, v3, vm0, $0xb8;
	[tilespmem:$0x10200] =	vst v63  }
0xc6: {  	_ =	swait.ge [sflag:s28], $0x4000  }
0xc7: {  	[sflag:s28] =	ssyncset.done $0x0  }
0xc8: {  	[sflag:s28] =	ssyncadd.s32 $0xFFFFC000  }
0xc9: {  	[hbm4b:s4+s3] =	stream.linear.scatter [tilespmem:s7], [sflag:$0x5], $0x4000, $0x38;
	[tilespmem:$0x10200] =	vst v63  }
0xca: {  	_ =	swait.ge [sflag:s29], $0x4000  }
0xcb: {  	[sflag:s29] =	ssyncset.done $0x0  }
0xcc: {  	s9 =	rddreg [dreg:$0x5];
	[sflag:s29] =	ssyncadd.s32 $0xFFFFC000  }
0xcd: {  	[hbm4b:s9+s3] =	stream.linear.scatter [tilespmem:s8], [sflag:$0x5], $0x4000, $0x38;
	[tilespmem:$0x10200] =	vst v63  }
0xce: {  	_ =	swait.ge [sflag:s30], $0x4000  }
0xcf: {  	[sflag:s30] =	ssyncset.done $0x0  }
0xd0: {  	s9 =	rddreg [dreg:$0x6];
	[sflag:s30] =	ssyncadd.s32 $0xFFFFC000  }
0xd1: {  	[hbm4b:s9+s3] =	stream.linear.scatter [tilespmem:s11], [sflag:$0x5], $0x4000, $0x38;
	[tilespmem:$0x10200] =	vst v63  }
0xd2: {  	_ =	swait.ge [sflag:s31], $0x4000  }
0xd3: {  	[sflag:s31] =	ssyncset.done $0x0  }
0xd4: {  	s9 =	rddreg [dreg:$0x7];
	[sflag:s31] =	ssyncadd.s32 $0xFFFFC000  }
0xd5: {  	[hbm4b:s9+s3] =	stream.linear.scatter [tilespmem:s19], [sflag:$0x5], $0x4000, $0x38;
	[tilespmem:$0x10200] =	vst v63  }
0xd6: {  	_ =	swait.ge [sflag:s2], $0x4000  }
0xd7: {  	[sflag:s2] =	ssyncset.done $0x0  }
0xd8: {  	[sflag:s2] =	ssyncadd.s32 $0xFFFFC000  }
0xd9: {  	_ =	swait.ge [sflag:s2], $0x4000  }
0xda: {  	[sflag:s2] =	ssyncset.done $0x0  }
0xdb: {  	[sflag:s2] =	ssyncadd.s32 $0xFFFFC000  }
0xdc: {  	p0 =	sne.s32 s5, $0x1;
	_ =	swait.ge [sflag:s2], $0x4000  }
.Ltmp0:
0xdd: {  	[sflag:s2] =	ssyncset.done $0x0;
	(pc) =	sbr.rel @p0 .LBB2_1-.Ltmp0, $4  }
0xde: {  	[sflag:s2] =	ssyncadd.s32 $0xFFFFC000  }
0xdf: {  	_ =	swait.ge [sflag:s2], $0x4000  }
0xe0: {  	[sflag:s2] =	ssyncset.done $0x0  }
0xe1: {  	s5 =	sadd.s32 $0xFFFFFFFF, s5;
	[sflag:s2] =	ssyncadd.s32 $0xFFFFC000  }
0xe2: {  	_ =	sfence.sel $0x180000  }
0xe3: {  	[bflag:$0x0] =	sbarrier.arrive $0xFFFF  }
0xe4: {  	_ =	strace $0x90000047  }
0xe5: {  	s0 =	stileid.u32;
	[bflag:$0x2] =	sbarrier.arrive $0xFFFF  }
0xe6: {  	p0 =	sne.s32 s0, $0x0;
	s0 =	rddreg [dreg:$0x3]  }
0xe7: {  	s0 =	sadd.s32 @!p0 $0x100000, s0  }
0xe8: {  	[sflag:s0] =	ssyncadd.tile.s32 @!p0 $0x1;
	_ =	shalt  }
.Lfunc_end2:
_tile_overlayer_lowered:
.L_overlay_start_2:
0xe9: {  	(tag) =	ssettag $0x2  }
0xea: {  	s0 =	rddreg [dreg:$0x0];
	s2 =	stileid.u32  }
0xeb: {  	s1 =	rddreg [dreg:$0x1];
	p0 =	sne.s32 s2, $0x0  }
0xec: {  	s3 =	rddreg [dreg:$0x2];
	[bflag:$0x3] =	sbarrier.arrive $0xFFFF;
	s2 =	simm.s32 @!p0 $0x1C06  }
0xed: {  	[timem:s3], [sflag:s2] =	dma.local @!p0 [hbm:s0], s1  }
0xee: {  	s0 =	simm.s32 @!p0 $0x6  }
0xef: {  	_ =	swait.ge @!p0 [sflag:s0], s1  }
0xf0: {  	s1 =	ssub.s32 @!p0 $0x0, s1;
	[sflag:s0] =	ssyncset.done @!p0 $0x0  }
0xf1: {  	[sflag:s0] =	ssyncadd.s32 @!p0 s1  }
0xf2: {  	[bflag:$0x3] =	sbarrier.arrive $0xFFFF  }
0xf3: {  	_ =	shalt  }

</sc_bundles>
